<compile_context>
chip_gen: v7x
topology: tpu7x:2x2x1
jax: 0.10.2.dev20260603
libtpu: 0.0.44.dev20260713+nightly
codegen_flags: <defaults>
</compile_context>

<pallas_src>
import jax
import jax.numpy as jnp
from jax import lax
from jax.experimental import pallas as pl
from jax.experimental.pallas import tpu as pltpu
from jax.experimental.pallas import tpu_sc as plsc

N = 10000
E = 160000
G = 64
D_IN = 256
D_HID = 256
D_OUT = 128

NC = 2
NS = 16
CHUNK = 128
E_PAD = 163840
PCH = 40
NSLOT = 2
ACC_ROWS = 10112
NP16 = N + 16
EPS = 1e-5

_sc_mesh = plsc.VectorSubcoreMesh(core_axis_name="c", subcore_axis_name="s")


def _deg_body(dst_r, out, dbuf, counts):
    c = lax.axis_index("c")
    s = lax.axis_index("s")
    w = s * NC + c
    def _zero(i, _):
        counts[pl.ds(i * 16, 16)] = jnp.zeros((16,), jnp.float32)
        return 0
    lax.fori_loop(0, NP16 // 16, _zero, 0)
    pltpu.sync_copy(dst_r.at[w], dbuf)
    one = jnp.ones((16,), jnp.float32)

    def _count(a, _):
        for b in range(8):
            idx = dbuf[a, pl.ds(b * 16, 16)]
            plsc.addupdate_scatter(counts, [idx], one)
        return 0
    lax.fori_loop(0, 40, _count, 0)
    pltpu.sync_copy(counts, out.at[pl.ds(w * NP16, NP16)])


def _deg_partials(dst_r32):
    return pl.kernel(
        _deg_body,
        out_type=jax.ShapeDtypeStruct((NC * NS * NP16,), jnp.float32),
        mesh=_sc_mesh,
        compiler_params=pltpu.CompilerParams(needs_layout_passes=False),
        scratch_types=[
            pltpu.VMEM((40, 128), jnp.int32),
            pltpu.VMEM((NP16,), jnp.float32),
        ],
    )(dst_r32)


OUT_ROWS = ACC_ROWS


def _make_segsum_body(edge_split):
    npieces = 1 if edge_split else 2

    def body(ytab, idx_r, zrows, out, ibuf, rows, acc, gsem):
        c = lax.axis_index("c")
        s = lax.axis_index("s")
        zr = ACC_ROWS // NS
        pltpu.sync_copy(zrows, acc.at[pl.ds(s * zr, zr)])
        plsc.subcore_barrier()

        table = ytab.at[0] if edge_split else ytab.at[c]

        def gather_start(ps, j, p):
            pltpu.async_copy(table.at[ibuf.at[ps, 0, j]], rows.at[p],
                             gsem.at[p])

        def gather_wait(ps, j, p):
            pltpu.make_async_copy(table.at[ibuf.at[ps, 0, j]], rows.at[p],
                                  gsem.at[p]).wait()

        def scat_sync(ps, j, p):
            pltpu.sync_copy(rows.at[p], acc.at[ibuf.at[ps, 1, j]], add=True)

        for q in range(npieces):
            piece = c if edge_split else q
            pltpu.sync_copy(idx_r.at[s, piece], ibuf.at[0])

            def _step(g2, _):
                for h in range(2):
                    @pl.when(g2 >= 1)
                    def _():
                        gather_wait(0, 2 * g2 - 2 + h, h)
                        scat_sync(0, 2 * g2 - 2 + h, h)

                    @pl.when(g2 < PCH // 2)
                    def _():
                        gather_start(0, 2 * g2 + h, h)
                return 0

            lax.fori_loop(0, PCH // 2 + 1, _step, 0)

        plsc.subcore_barrier()
        pltpu.sync_copy(acc.at[pl.ds(s * zr, zr)],
                        out.at[c, pl.ds(s * zr, zr)])
    return body


def _segsum(ytab, idx_r, zrows, edge_split):
    d2 = ytab.shape[2]
    return pl.kernel(
        _make_segsum_body(edge_split),
        out_type=jax.ShapeDtypeStruct((NC, OUT_ROWS, d2), jnp.float32),
        mesh=_sc_mesh,
        compiler_params=pltpu.CompilerParams(needs_layout_passes=False),
        scratch_types=[
            pltpu.VMEM((1, 2, PCH, CHUNK), jnp.int32),
            pltpu.VMEM((NSLOT, CHUNK, d2), jnp.float32),
            pltpu.VMEM_SHARED((ACC_ROWS, d2), jnp.float32),
            pltpu.SemaphoreType.DMA((NSLOT,)),
        ],
    )(ytab, idx_r, zrows)


_BN = 1000


def _y1_body(degp_ref, x_ref, w_ref, y_ref, dinv_ref):
    deg = jnp.sum(degp_ref[...], axis=1) + 1.0
    dinv = lax.rsqrt(deg)
    y = jnp.dot(x_ref[...], w_ref[...],
                preferred_element_type=jnp.float32) * dinv[:, None]
    d2 = y.shape[1] // 2
    y_ref[0] = y[:, :d2]
    y_ref[1] = y[:, d2:]
    dinv_ref[...] = dinv[:, None]


def _y1_call(deg_parts, x, W1):
    return pl.pallas_call(
        _y1_body,
        grid=(N // _BN,),
        in_specs=[
            pl.BlockSpec((_BN, NC * NS), lambda i: (i, 0)),
            pl.BlockSpec((_BN, D_IN), lambda i: (i, 0)),
            pl.BlockSpec((D_IN, D_HID), lambda i: (0, 0)),
        ],
        out_specs=[
            pl.BlockSpec((NC, _BN, D_HID // 2), lambda i: (0, i, 0)),
            pl.BlockSpec((_BN, 1), lambda i: (i, 0)),
        ],
        out_shape=[
            jax.ShapeDtypeStruct((NC, N, D_HID // 2), jnp.float32),
            jax.ShapeDtypeStruct((N, 1), jnp.float32),
        ],
    )(deg_parts, x, W1)


def _agg(s_ref, y_ref, dinv_ref, b_ref, col_split):
    dinv = dinv_ref[...]
    if col_split:
        agg = jnp.concatenate(
            [(s_ref[0] + y_ref[0]), (s_ref[1] + y_ref[1])], axis=1)
    else:
        agg = s_ref[0] + s_ref[1] + y_ref[0]
    return agg * dinv + b_ref[...]


def _make_stats_body(col_split):
    def body(s_ref, y_ref, dinv_ref, b_ref, o_ref):
        agg = _agg(s_ref, y_ref, dinv_ref, b_ref, col_split)
        part = jnp.concatenate(
            [jnp.sum(agg, axis=0)[None], jnp.sum(agg * agg, axis=0)[None]],
            axis=0)

        @pl.when(pl.program_id(0) == 0)
        def _():
            o_ref[...] = jnp.zeros_like(o_ref)

        o_ref[...] += part
    return body


def _stats_call(S, y, dinv, b, col_split):
    d = b.shape[1]
    return pl.pallas_call(
        _make_stats_body(col_split),
        grid=(N // _BN,),
        in_specs=[
            pl.BlockSpec((S.shape[0], _BN, S.shape[2]), lambda i: (0, i, 0)),
            pl.BlockSpec((y.shape[0], _BN, y.shape[2]), lambda i: (0, i, 0)),
            pl.BlockSpec((_BN, 1), lambda i: (i, 0)),
            pl.BlockSpec((1, d), lambda i: (0, 0)),
        ],
        out_specs=pl.BlockSpec((2, d), lambda i: (0, 0)),
        out_shape=jax.ShapeDtypeStruct((2, d), jnp.float32),
    )(S, y, dinv, b)


def _bn_relu_from_stats(agg, stats_ref, gamma_ref, beta_ref):
    mu = stats_ref[0][None] / N
    var = stats_ref[1][None] / N - mu * mu
    rstd = lax.rsqrt(var + EPS)
    return jnp.maximum((agg - mu) * rstd * gamma_ref[...] + beta_ref[...], 0.0)


def _y2_body(s_ref, y_ref, dinv_ref, b_ref, stats_ref, gamma_ref, beta_ref,
             w_ref, y2_ref):
    agg = _agg(s_ref, y_ref, dinv_ref, b_ref, col_split=True)
    h = _bn_relu_from_stats(agg, stats_ref, gamma_ref, beta_ref)
    y2 = jnp.dot(h, w_ref[...],
                 preferred_element_type=jnp.float32) * dinv_ref[...]
    y2_ref[0] = y2


def _y2_call(S1, y1, dinv, b1, stats1, gamma1, beta1, W2):
    return pl.pallas_call(
        _y2_body,
        grid=(N // _BN,),
        in_specs=[
            pl.BlockSpec((NC, _BN, D_HID // 2), lambda i: (0, i, 0)),
            pl.BlockSpec((NC, _BN, D_HID // 2), lambda i: (0, i, 0)),
            pl.BlockSpec((_BN, 1), lambda i: (i, 0)),
            pl.BlockSpec((1, D_HID), lambda i: (0, 0)),
            pl.BlockSpec((2, D_HID), lambda i: (0, 0)),
            pl.BlockSpec((1, D_HID), lambda i: (0, 0)),
            pl.BlockSpec((1, D_HID), lambda i: (0, 0)),
            pl.BlockSpec((D_HID, D_OUT), lambda i: (0, 0)),
        ],
        out_specs=pl.BlockSpec((1, _BN, D_OUT), lambda i: (0, i, 0)),
        out_shape=jax.ShapeDtypeStruct((1, N, D_OUT), jnp.float32),
    )(S1, y1, dinv, b1, stats1, gamma1, beta1, W2)


def _pool_body(s_ref, y_ref, dinv_ref, b_ref, stats_ref, gamma_ref, beta_ref,
               batch_ref, o_ref, pool_acc, cnt_acc):
    i = pl.program_id(0)
    agg = _agg(s_ref, y_ref, dinv_ref, b_ref, col_split=False)
    h = _bn_relu_from_stats(agg, stats_ref, gamma_ref, beta_ref)
    gids = lax.broadcasted_iota(jnp.int32, (_BN, G), 1)
    onehot = (batch_ref[...] == gids).astype(jnp.float32)

    @pl.when(i == 0)
    def _():
        pool_acc[...] = jnp.zeros_like(pool_acc)
        cnt_acc[...] = jnp.zeros_like(cnt_acc)

    dn = (((0,), (0,)), ((), ()))
    pool_acc[...] += lax.dot_general(onehot, h, dn,
                                     preferred_element_type=jnp.float32)
    cnt_acc[...] += lax.dot_general(onehot, jnp.ones_like(h), dn,
                                    preferred_element_type=jnp.float32)

    @pl.when(i == pl.num_programs(0) - 1)
    def _():
        o_ref[...] = pool_acc[...] / jnp.maximum(cnt_acc[...], 1.0)


def _pool_call(S2, y2, dinv, b2, stats2, gamma2, beta2, batch2):
    return pl.pallas_call(
        _pool_body,
        grid=(N // _BN,),
        in_specs=[
            pl.BlockSpec((NC, _BN, D_OUT), lambda i: (0, i, 0)),
            pl.BlockSpec((1, _BN, D_OUT), lambda i: (0, i, 0)),
            pl.BlockSpec((_BN, 1), lambda i: (i, 0)),
            pl.BlockSpec((1, D_OUT), lambda i: (0, 0)),
            pl.BlockSpec((2, D_OUT), lambda i: (0, 0)),
            pl.BlockSpec((1, D_OUT), lambda i: (0, 0)),
            pl.BlockSpec((1, D_OUT), lambda i: (0, 0)),
            pl.BlockSpec((_BN, 1), lambda i: (i, 0)),
        ],
        out_specs=pl.BlockSpec((G, D_OUT), lambda i: (0, 0)),
        out_shape=jax.ShapeDtypeStruct((G, D_OUT), jnp.float32),
        scratch_shapes=[
            pltpu.VMEM((G, D_OUT), jnp.float32),
            pltpu.VMEM((G, D_OUT), jnp.float32),
        ],
    )(S2, y2, dinv, b2, stats2, gamma2, beta2, batch2)


def kernel(x, edge_index, batch, W1, b1, gamma1, beta1, W2, b2, gamma2, beta2):
    src = edge_index[0]
    dst = edge_index[1]
    padn = E_PAD - E
    srcp = jnp.concatenate([src, jnp.zeros((padn,), jnp.int32)])
    dstp = jnp.concatenate([dst, jnp.full((padn,), N, jnp.int32)])
    idx_r = jnp.stack([srcp.reshape(NS, 2, PCH, CHUNK),
                       dstp.reshape(NS, 2, PCH, CHUNK)], axis=2)
    dst_r32 = dstp.reshape(NC * NS, 40, 128)
    z128 = jnp.zeros((ACC_ROWS // NS, 128), jnp.float32)
    batch2 = batch[:, None]
    b1r, g1r, be1r = b1[None], gamma1[None], beta1[None]
    b2r, g2r, be2r = b2[None], gamma2[None], beta2[None]

    deg_parts = _deg_partials(dst_r32).reshape(NC * NS, NP16)
    deg_t = jnp.transpose(deg_parts)[:N]
    y1, dinv = _y1_call(deg_t, x, W1)
    S1 = _segsum(y1, idx_r, z128, edge_split=False)
    stats1 = _stats_call(S1, y1, dinv, b1r, col_split=True)
    y2 = _y2_call(S1, y1, dinv, b1r, stats1, g1r, be1r, W2)
    S2 = _segsum(y2, idx_r, z128, edge_split=True)
    stats2 = _stats_call(S2, y2, dinv, b2r, col_split=False)
    return _pool_call(S2, y2, dinv, b2r, stats2, g2r, be2r, batch2)

# --- scband reference (transcript-rebuilt; emitter-appended) ---
"""Pipeline reference for scband-tabular-gnn-18820546691464 (READ-ONLY COPY).

The authoritative reference and input builder live on the scoring server;
editing this copy changes nothing except your own understanding.
"""

import jax, jax.numpy as jnp
import numpy as np

N = 10000
E = 160000
G = 64
D_IN = 256
D_HID = 256
D_OUT = 128


def setup_inputs(seed: int = 0) -> dict:
    key = jax.random.key(seed)
    ks = jax.random.split(key, 12)
    x = jax.random.normal(ks[0], (N, D_IN), dtype=jnp.float32)
    edge_index = jax.random.randint(ks[1], (2, E), 0, N, dtype=jnp.int32)
    batch = jnp.sort(jax.random.randint(ks[2], (N,), 0, G, dtype=jnp.int32))
    W1 = jax.random.normal(ks[3], (D_IN, D_HID), dtype=jnp.float32) * (1.0 / np.sqrt(D_IN))
    b1 = jnp.zeros((D_HID,), dtype=jnp.float32)
    gamma1 = jnp.ones((D_HID,), dtype=jnp.float32)
    beta1 = jnp.zeros((D_HID,), dtype=jnp.float32)
    W2 = jax.random.normal(ks[4], (D_HID, D_OUT), dtype=jnp.float32) * (1.0 / np.sqrt(D_HID))
    b2 = jnp.zeros((D_OUT,), dtype=jnp.float32)
    gamma2 = jnp.ones((D_OUT,), dtype=jnp.float32)
    beta2 = jnp.zeros((D_OUT,), dtype=jnp.float32)
    return {"x": x, "edge_index": edge_index, "batch": batch,
            "W1": W1, "b1": b1, "gamma1": gamma1, "beta1": beta1,
            "W2": W2, "b2": b2, "gamma2": gamma2, "beta2": beta2}


def _gcn_conv(x, edge_index, W, b):
    # GCNConv with symmetric normalization and implicit self-loops:
    # out = D^{-1/2} (A + I) D^{-1/2} X W + b
    n = x.shape[0]
    src = edge_index[0]
    dst = edge_index[1]
    xw = x @ W
    deg = jnp.zeros((n,), dtype=x.dtype).at[dst].add(1.0) + 1.0  # +1 self-loop
    dinv = jax.lax.rsqrt(deg)
    norm = dinv[src] * dinv[dst]
    msg = xw[src] * norm[:, None]
    agg = jax.ops.segment_sum(msg, dst, num_segments=n)
    agg = agg + xw * (dinv * dinv)[:, None]  # self-loop term
    return agg + b


def _batch_norm(x, gamma, beta, eps=1e-5):
    mu = jnp.mean(x, axis=0)
    var = jnp.var(x, axis=0)
    return (x - mu) * jax.lax.rsqrt(var + eps) * gamma + beta


def reference(x, edge_index, batch, W1, b1, gamma1, beta1, W2, b2, gamma2, beta2):
    h = _gcn_conv(x, edge_index, W1, b1)
    h = _batch_norm(h, gamma1, beta1)
    h = jax.nn.relu(h)
    # dropout is identity in eval/reference mode
    h = _gcn_conv(h, edge_index, W2, b2)
    h = _batch_norm(h, gamma2, beta2)
    h = jax.nn.relu(h)
    # global_mean_pool over graph ids
    sums = jax.ops.segment_sum(h, batch, num_segments=G)
    cnt = jax.ops.segment_sum(jnp.ones((h.shape[0],), dtype=h.dtype), batch, num_segments=G)
    return sums / jnp.clip(cnt, 1.0)[:, None]

if __name__ == "__main__":
    import jax
    _d = setup_inputs()
    print(jax.jit(kernel)(*tuple(_d.values())))

</pallas_src>

<mosaic_0001>
#map = affine_map<(d0, d1) -> (0, 0, 0)>
#map1 = affine_map<(d0, d1) -> (0, 0, 0, 0, 0)>
#map2 = affine_map<(d0, d1) -> (0, 0)>
module attributes {stable_mosaic.version = 14 : i64} {
  func.func @body(%arg0: i32, %arg1: i32, %arg2: memref<1x10000x128xf32, #tpu.memory_space<hbm>>, %arg3: memref<16x2x2x40x128xi32, #tpu.memory_space<hbm>>, %arg4: memref<632x128xf32, #tpu.memory_space<hbm>>, %arg5: memref<2x10112x128xf32, #tpu.memory_space<hbm>>, %arg6: memref<1x2x40x128xi32, #tpu.memory_space<vmem>>, %arg7: memref<2x128x128xf32, #tpu.memory_space<vmem>>, %arg8: memref<10112x128xf32, #tpu.memory_space<vmem_shared>>, %arg9: memref<2x!tpu.dma_semaphore, #tpu.memory_space<semaphore_mem>>) attributes {dimension_semantics = [#tpu.dimension_semantics<core_parallel>, #tpu.dimension_semantics<subcore_parallel>], iteration_bounds = array<i64: 2, 16>, scalar_prefetch = 0 : i64, scratch_operands = 4 : i64, tpu.core_type = #tpu.core_type<sc_vector_subcore>, window_params = [{transform_indices = #map}, {transform_indices = #map1}, {transform_indices = #map2}, {transform_indices = #map}]} {
    %mul3A = arith.constant 632 : i32
    %mul3A_0 = arith.muli %arg1, %mul3A : i32
    "tpu.region"() ({
      %run_scoped3A_13 = tpu.sem_alloc : memref<!tpu.dma_semaphore, #tpu.memory_space<semaphore_mem>>
      %dma_start3A = arith.constant 0 : i32
      %dma_start3A_14 = tpu.memref_slice %arg8[%mul3A_0, %dma_start3A] : memref<10112x128xf32, #tpu.memory_space<vmem_shared>> -> memref<632x128xf32, #tpu.memory_space<vmem_shared>>
      tpu.enqueue_dma source(%arg4 : memref<632x128xf32, #tpu.memory_space<hbm>>) target(%dma_start3A_14 : memref<632x128xf32, #tpu.memory_space<vmem_shared>>) target_semaphore(%run_scoped3A_13 : memref<!tpu.dma_semaphore, #tpu.memory_space<semaphore_mem>>)
      %dma_wait3A = arith.constant 0 : i32
      %dma_wait3A_15 = tpu.memref_slice %arg8[%mul3A_0, %dma_wait3A] : memref<10112x128xf32, #tpu.memory_space<vmem_shared>> -> memref<632x128xf32, #tpu.memory_space<vmem_shared>>
      tpu.wait_dma2 semaphore(%run_scoped3A_13 : memref<!tpu.dma_semaphore, #tpu.memory_space<semaphore_mem>>) src(%arg4 : memref<632x128xf32, #tpu.memory_space<hbm>>) dst(%dma_wait3A_15 : memref<632x128xf32, #tpu.memory_space<vmem_shared>>)
      tpu.yield
    }) : () -> ()
    %barrier3A = arith.constant 0 : index
    tpu.barrier barrier_id(%barrier3A)
    %run_scoped3A = arith.constant 0 : i32
    "tpu.region"() ({
      %run_scoped3A_13 = tpu.sem_alloc : memref<!tpu.dma_semaphore, #tpu.memory_space<semaphore_mem>>
      %dma_start3A = arith.constant 0 : i32
      %dma_start3A_14 = arith.constant 0 : i32
      %dma_start3A_15 = arith.constant 0 : i32
      %dma_start3A_16 = tpu.memref_slice %arg6[%run_scoped3A, %dma_start3A, %dma_start3A_14, %dma_start3A_15] : memref<1x2x40x128xi32, #tpu.memory_space<vmem>> -> memref<1x2x40x128xi32, #tpu.memory_space<vmem>>
      %dma_start3A_17 = tpu.memref_squeeze %dma_start3A_16 : memref<1x2x40x128xi32, #tpu.memory_space<vmem>> -> memref<2x40x128xi32, #tpu.memory_space<vmem>>
      %dma_start3A_18 = arith.constant 0 : i32
      %dma_start3A_19 = arith.constant 0 : i32
      %dma_start3A_20 = arith.constant 0 : i32
      %dma_start3A_21 = tpu.memref_slice %arg3[%arg1, %arg0, %dma_start3A_18, %dma_start3A_19, %dma_start3A_20] : memref<16x2x2x40x128xi32, #tpu.memory_space<hbm>> -> memref<1x1x2x40x128xi32, #tpu.memory_space<hbm>>
      %dma_start3A_22 = tpu.memref_squeeze %dma_start3A_21 : memref<1x1x2x40x128xi32, #tpu.memory_space<hbm>> -> memref<2x40x128xi32, #tpu.memory_space<hbm>>
      %dma_start3A_23 = arith.constant 0 : i32
      %dma_start3A_24 = arith.constant 0 : i32
      %dma_start3A_25 = arith.constant 0 : i32
      %dma_start3A_26 = tpu.memref_slice %arg6[%run_scoped3A, %dma_start3A_23, %dma_start3A_24, %dma_start3A_25] : memref<1x2x40x128xi32, #tpu.memory_space<vmem>> -> memref<1x2x40x128xi32, #tpu.memory_space<vmem>>
      %dma_start3A_27 = tpu.memref_squeeze %dma_start3A_26 : memref<1x2x40x128xi32, #tpu.memory_space<vmem>> -> memref<2x40x128xi32, #tpu.memory_space<vmem>>
      %dma_start3A_28 = arith.constant 0 : i32
      %dma_start3A_29 = arith.constant 0 : i32
      %dma_start3A_30 = arith.constant 0 : i32
      %dma_start3A_31 = tpu.memref_slice %arg3[%arg1, %arg0, %dma_start3A_28, %dma_start3A_29, %dma_start3A_30] : memref<16x2x2x40x128xi32, #tpu.memory_space<hbm>> -> memref<1x1x2x40x128xi32, #tpu.memory_space<hbm>>
      %dma_start3A_32 = tpu.memref_squeeze %dma_start3A_31 : memref<1x1x2x40x128xi32, #tpu.memory_space<hbm>> -> memref<2x40x128xi32, #tpu.memory_space<hbm>>
      tpu.enqueue_dma source(%dma_start3A_32 : memref<2x40x128xi32, #tpu.memory_space<hbm>>) target(%dma_start3A_27 : memref<2x40x128xi32, #tpu.memory_space<vmem>>) target_semaphore(%run_scoped3A_13 : memref<!tpu.dma_semaphore, #tpu.memory_space<semaphore_mem>>)
      %dma_wait3A = arith.constant 0 : i32
      %dma_wait3A_33 = arith.constant 0 : i32
      %dma_wait3A_34 = arith.constant 0 : i32
      %dma_wait3A_35 = tpu.memref_slice %arg6[%run_scoped3A, %dma_wait3A, %dma_wait3A_33, %dma_wait3A_34] : memref<1x2x40x128xi32, #tpu.memory_space<vmem>> -> memref<1x2x40x128xi32, #tpu.memory_space<vmem>>
      %dma_wait3A_36 = tpu.memref_squeeze %dma_wait3A_35 : memref<1x2x40x128xi32, #tpu.memory_space<vmem>> -> memref<2x40x128xi32, #tpu.memory_space<vmem>>
      %dma_wait3A_37 = arith.constant 0 : i32
      %dma_wait3A_38 = arith.constant 0 : i32
      %dma_wait3A_39 = arith.constant 0 : i32
      %dma_wait3A_40 = tpu.memref_slice %arg3[%arg1, %arg0, %dma_wait3A_37, %dma_wait3A_38, %dma_wait3A_39] : memref<16x2x2x40x128xi32, #tpu.memory_space<hbm>> -> memref<1x1x2x40x128xi32, #tpu.memory_space<hbm>>
      %dma_wait3A_41 = tpu.memref_squeeze %dma_wait3A_40 : memref<1x1x2x40x128xi32, #tpu.memory_space<hbm>> -> memref<2x40x128xi32, #tpu.memory_space<hbm>>
      %dma_wait3A_42 = arith.constant 0 : i32
      %dma_wait3A_43 = arith.constant 0 : i32
      %dma_wait3A_44 = arith.constant 0 : i32
      %dma_wait3A_45 = tpu.memref_slice %arg6[%run_scoped3A, %dma_wait3A_42, %dma_wait3A_43, %dma_wait3A_44] : memref<1x2x40x128xi32, #tpu.memory_space<vmem>> -> memref<1x2x40x128xi32, #tpu.memory_space<vmem>>
      %dma_wait3A_46 = tpu.memref_squeeze %dma_wait3A_45 : memref<1x2x40x128xi32, #tpu.memory_space<vmem>> -> memref<2x40x128xi32, #tpu.memory_space<vmem>>
      %dma_wait3A_47 = arith.constant 0 : i32
      %dma_wait3A_48 = arith.constant 0 : i32
      %dma_wait3A_49 = arith.constant 0 : i32
      %dma_wait3A_50 = tpu.memref_slice %arg3[%arg1, %arg0, %dma_wait3A_47, %dma_wait3A_48, %dma_wait3A_49] : memref<16x2x2x40x128xi32, #tpu.memory_space<hbm>> -> memref<1x1x2x40x128xi32, #tpu.memory_space<hbm>>
      %dma_wait3A_51 = tpu.memref_squeeze %dma_wait3A_50 : memref<1x1x2x40x128xi32, #tpu.memory_space<hbm>> -> memref<2x40x128xi32, #tpu.memory_space<hbm>>
      tpu.wait_dma2 semaphore(%run_scoped3A_13 : memref<!tpu.dma_semaphore, #tpu.memory_space<semaphore_mem>>) src(%dma_wait3A_51 : memref<2x40x128xi32, #tpu.memory_space<hbm>>) dst(%dma_wait3A_46 : memref<2x40x128xi32, #tpu.memory_space<vmem>>)
      tpu.yield
    }) : () -> ()
    %scan3A = arith.constant 0 : i32
    %scan3A_1 = arith.constant 0 : i32
    %scan3A_2 = arith.constant 0 : i32
    %scan3A_3 = arith.constant 21 : i32
    %scan3A_4 = arith.addi %scan3A_2, %scan3A_3 : i32
    %scan3A_5 = arith.constant 1 : i32
    %scan3A_6 = scf.for %scan3A_13 = %scan3A_2 to %scan3A_4 step %scan3A_5 iter_args(%scan3A_14 = %scan3A_1) -> (i32)  : i32 {
      %ge3A = arith.constant 1 : i32
      %ge3A_15 = arith.cmpi sge, %scan3A_13, %ge3A : i32
      %convert_element_type3A = arith.extui %ge3A_15 : i1 to i32
      %cond3A = arith.constant 0 : i32
      %cond3A_16 = arith.cmpi ne, %convert_element_type3A, %cond3A : i32
      scf.if %cond3A_16 {
        %mul3A_32 = arith.constant 2 : i32
        %mul3A_33 = arith.muli %mul3A_32, %scan3A_13 : i32
        %sub3A = arith.constant 2 : i32
        %sub3A_34 = arith.subi %mul3A_33, %sub3A : i32
        %add3A = arith.constant 0 : i32
        %add3A_35 = arith.addi %sub3A_34, %add3A : i32
        %dma_wait3A = arith.constant 0 : i32
        %dma_wait3A_36 = arith.constant 0 : i32
        %dma_wait3A_37 = arith.constant 0 : i32
        %dma_wait3A_38 = arith.constant 0 : i32
        %dma_wait3A_39 = arith.constant 0 : i32
        %dma_wait3A_40 = arith.constant 0 : i32
        %dma_wait3A_41 = tpu.memref_slice %arg7[%dma_wait3A_37, %dma_wait3A_39, %dma_wait3A_40] : memref<2x128x128xf32, #tpu.memory_space<vmem>> -> memref<1x128x128xf32, #tpu.memory_space<vmem>>
        %dma_wait3A_42 = tpu.memref_squeeze %dma_wait3A_41 : memref<1x128x128xf32, #tpu.memory_space<vmem>> -> memref<128x128xf32, #tpu.memory_space<vmem>>
        %dma_wait3A_43 = arith.constant 0 : i32
        %dma_wait3A_44 = tpu.memref_slice %arg6[%dma_wait3A, %dma_wait3A_36, %add3A_35, %dma_wait3A_43] : memref<1x2x40x128xi32, #tpu.memory_space<vmem>> -> memref<1x1x1x128xi32, #tpu.memory_space<vmem>>
        %dma_wait3A_45 = tpu.memref_squeeze %dma_wait3A_44 : memref<1x1x1x128xi32, #tpu.memory_space<vmem>> -> memref<128xi32, #tpu.memory_space<vmem>>
        %dma_wait3A_46 = arith.constant 0 : i32
        %dma_wait3A_47 = arith.constant 0 : i32
        %dma_wait3A_48 = tpu.memref_slice %arg2[%scan3A, %dma_wait3A_46, %dma_wait3A_47] : memref<1x10000x128xf32, #tpu.memory_space<hbm>> -> memref<1x10000x128xf32, #tpu.memory_space<hbm>>
        %dma_wait3A_49 = tpu.memref_squeeze %dma_wait3A_48 : memref<1x10000x128xf32, #tpu.memory_space<hbm>> -> memref<10000x128xf32, #tpu.memory_space<hbm>>
        %dma_wait3A_50 = arith.constant 0 : i32
        %dma_wait3A_51 = arith.constant 0 : i32
        %dma_wait3A_52 = tpu.memref_slice %dma_wait3A_49[%dma_wait3A_50, %dma_wait3A_51] : memref<10000x128xf32, #tpu.memory_space<hbm>> -> memref<10000x128xf32, #tpu.memory_space<hbm>>
        %dma_wait3A_53 = tpu.memref_slice %arg9[%dma_wait3A_38] : memref<2x!tpu.dma_semaphore, #tpu.memory_space<semaphore_mem>> -> memref<1x!tpu.dma_semaphore, #tpu.memory_space<semaphore_mem>>
        %dma_wait3A_54 = tpu.memref_squeeze %dma_wait3A_53 : memref<1x!tpu.dma_semaphore, #tpu.memory_space<semaphore_mem>> -> memref<!tpu.dma_semaphore, #tpu.memory_space<semaphore_mem>>
        tpu.wait_indirect_dma semaphore(%dma_wait3A_54 : memref<!tpu.dma_semaphore, #tpu.memory_space<semaphore_mem>>) src(%dma_wait3A_52 : memref<10000x128xf32, #tpu.memory_space<hbm>>) dst(%dma_wait3A_42 : memref<128x128xf32, #tpu.memory_space<vmem>>)
        %mul3A_55 = arith.constant 2 : i32
        %mul3A_56 = arith.muli %mul3A_55, %scan3A_13 : i32
        %sub3A_57 = arith.constant 2 : i32
        %sub3A_58 = arith.subi %mul3A_56, %sub3A_57 : i32
        %add3A_59 = arith.constant 0 : i32
        %add3A_60 = arith.addi %sub3A_58, %add3A_59 : i32
        %run_scoped3A_61 = arith.constant 0 : i32
        %run_scoped3A_62 = arith.constant 0 : i32
        %run_scoped3A_63 = arith.constant 1 : i32
        "tpu.region"() ({
          %run_scoped3A_64 = tpu.sem_alloc : memref<!tpu.dma_semaphore, #tpu.memory_space<semaphore_mem>>
          %dma_start3A = arith.constant 0 : i32
          %dma_start3A_65 = arith.constant 0 : i32
          %dma_start3A_66 = tpu.memref_slice %arg7[%run_scoped3A_61, %dma_start3A, %dma_start3A_65] : memref<2x128x128xf32, #tpu.memory_space<vmem>> -> memref<1x128x128xf32, #tpu.memory_space<vmem>>
          %dma_start3A_67 = tpu.memref_squeeze %dma_start3A_66 : memref<1x128x128xf32, #tpu.memory_space<vmem>> -> memref<128x128xf32, #tpu.memory_space<vmem>>
          %dma_start3A_68 = arith.constant 0 : i32
          %dma_start3A_69 = tpu.memref_slice %arg6[%run_scoped3A_62, %run_scoped3A_63, %add3A_60, %dma_start3A_68] : memref<1x2x40x128xi32, #tpu.memory_space<vmem>> -> memref<1x1x1x128xi32, #tpu.memory_space<vmem>>
          %dma_start3A_70 = tpu.memref_squeeze %dma_start3A_69 : memref<1x1x1x128xi32, #tpu.memory_space<vmem>> -> memref<128xi32, #tpu.memory_space<vmem>>
          %dma_start3A_71 = arith.constant 0 : i32
          %dma_start3A_72 = arith.constant 0 : i32
          %dma_start3A_73 = tpu.memref_slice %arg8[%dma_start3A_71, %dma_start3A_72] : memref<10112x128xf32, #tpu.memory_space<vmem_shared>> -> memref<10112x128xf32, #tpu.memory_space<vmem_shared>>
          tpu.enqueue_indirect_dma source(%dma_start3A_67 : memref<128x128xf32, #tpu.memory_space<vmem>>) target(%dma_start3A_73 : memref<10112x128xf32, #tpu.memory_space<vmem_shared>>) offsets(%dma_start3A_70 : memref<128xi32, #tpu.memory_space<vmem>>) semaphore(%run_scoped3A_64 : memref<!tpu.dma_semaphore, #tpu.memory_space<semaphore_mem>>) {add = true}
          %dma_wait3A_74 = arith.constant 0 : i32
          %dma_wait3A_75 = arith.constant 0 : i32
          %dma_wait3A_76 = tpu.memref_slice %arg7[%run_scoped3A_61, %dma_wait3A_74, %dma_wait3A_75] : memref<2x128x128xf32, #tpu.memory_space<vmem>> -> memref<1x128x128xf32, #tpu.memory_space<vmem>>
          %dma_wait3A_77 = tpu.memref_squeeze %dma_wait3A_76 : memref<1x128x128xf32, #tpu.memory_space<vmem>> -> memref<128x128xf32, #tpu.memory_space<vmem>>
          %dma_wait3A_78 = arith.constant 0 : i32
          %dma_wait3A_79 = tpu.memref_slice %arg6[%run_scoped3A_62, %run_scoped3A_63, %add3A_60, %dma_wait3A_78] : memref<1x2x40x128xi32, #tpu.memory_space<vmem>> -> memref<1x1x1x128xi32, #tpu.memory_space<vmem>>
          %dma_wait3A_80 = tpu.memref_squeeze %dma_wait3A_79 : memref<1x1x1x128xi32, #tpu.memory_space<vmem>> -> memref<128xi32, #tpu.memory_space<vmem>>
          %dma_wait3A_81 = arith.constant 0 : i32
          %dma_wait3A_82 = arith.constant 0 : i32
          %dma_wait3A_83 = tpu.memref_slice %arg8[%dma_wait3A_81, %dma_wait3A_82] : memref<10112x128xf32, #tpu.memory_space<vmem_shared>> -> memref<10112x128xf32, #tpu.memory_space<vmem_shared>>
          tpu.wait_indirect_dma semaphore(%run_scoped3A_64 : memref<!tpu.dma_semaphore, #tpu.memory_space<semaphore_mem>>) src(%dma_wait3A_77 : memref<128x128xf32, #tpu.memory_space<vmem>>) dst(%dma_wait3A_83 : memref<10112x128xf32, #tpu.memory_space<vmem_shared>>)
          tpu.yield
        }) : () -> ()
      } else {
      }
      %lt3A = arith.constant 20 : i32
      %lt3A_17 = arith.cmpi slt, %scan3A_13, %lt3A : i32
      %convert_element_type3A_18 = arith.extui %lt3A_17 : i1 to i32
      %cond3A_19 = arith.constant 0 : i32
      %cond3A_20 = arith.cmpi ne, %convert_element_type3A_18, %cond3A_19 : i32
      scf.if %cond3A_20 {
        %mul3A_32 = arith.constant 2 : i32
        %mul3A_33 = arith.muli %mul3A_32, %scan3A_13 : i32
        %add3A = arith.constant 0 : i32
        %add3A_34 = arith.addi %mul3A_33, %add3A : i32
        %dma_start3A = arith.constant 0 : i32
        %dma_start3A_35 = arith.constant 0 : i32
        %dma_start3A_36 = arith.constant 0 : i32
        %dma_start3A_37 = arith.constant 0 : i32
        %dma_start3A_38 = arith.constant 0 : i32
        %dma_start3A_39 = arith.constant 0 : i32
        %dma_start3A_40 = tpu.memref_slice %arg7[%dma_start3A_36, %dma_start3A_38, %dma_start3A_39] : memref<2x128x128xf32, #tpu.memory_space<vmem>> -> memref<1x128x128xf32, #tpu.memory_space<vmem>>
        %dma_start3A_41 = tpu.memref_squeeze %dma_start3A_40 : memref<1x128x128xf32, #tpu.memory_space<vmem>> -> memref<128x128xf32, #tpu.memory_space<vmem>>
        %dma_start3A_42 = arith.constant 0 : i32
        %dma_start3A_43 = tpu.memref_slice %arg6[%dma_start3A, %dma_start3A_35, %add3A_34, %dma_start3A_42] : memref<1x2x40x128xi32, #tpu.memory_space<vmem>> -> memref<1x1x1x128xi32, #tpu.memory_space<vmem>>
        %dma_start3A_44 = tpu.memref_squeeze %dma_start3A_43 : memref<1x1x1x128xi32, #tpu.memory_space<vmem>> -> memref<128xi32, #tpu.memory_space<vmem>>
        %dma_start3A_45 = arith.constant 0 : i32
        %dma_start3A_46 = arith.constant 0 : i32
        %dma_start3A_47 = tpu.memref_slice %arg2[%scan3A, %dma_start3A_45, %dma_start3A_46] : memref<1x10000x128xf32, #tpu.memory_space<hbm>> -> memref<1x10000x128xf32, #tpu.memory_space<hbm>>
        %dma_start3A_48 = tpu.memref_squeeze %dma_start3A_47 : memref<1x10000x128xf32, #tpu.memory_space<hbm>> -> memref<10000x128xf32, #tpu.memory_space<hbm>>
        %dma_start3A_49 = arith.constant 0 : i32
        %dma_start3A_50 = arith.constant 0 : i32
        %dma_start3A_51 = tpu.memref_slice %dma_start3A_48[%dma_start3A_49, %dma_start3A_50] : memref<10000x128xf32, #tpu.memory_space<hbm>> -> memref<10000x128xf32, #tpu.memory_space<hbm>>
        %dma_start3A_52 = tpu.memref_slice %arg9[%dma_start3A_37] : memref<2x!tpu.dma_semaphore, #tpu.memory_space<semaphore_mem>> -> memref<1x!tpu.dma_semaphore, #tpu.memory_space<semaphore_mem>>
        %dma_start3A_53 = tpu.memref_squeeze %dma_start3A_52 : memref<1x!tpu.dma_semaphore, #tpu.memory_space<semaphore_mem>> -> memref<!tpu.dma_semaphore, #tpu.memory_space<semaphore_mem>>
        tpu.enqueue_indirect_dma source(%dma_start3A_51 : memref<10000x128xf32, #tpu.memory_space<hbm>>) target(%dma_start3A_41 : memref<128x128xf32, #tpu.memory_space<vmem>>) offsets(%dma_start3A_44 : memref<128xi32, #tpu.memory_space<vmem>>) semaphore(%dma_start3A_53 : memref<!tpu.dma_semaphore, #tpu.memory_space<semaphore_mem>>)
      } else {
      }
      %ge3A_21 = arith.constant 1 : i32
      %ge3A_22 = arith.cmpi sge, %scan3A_13, %ge3A_21 : i32
      %convert_element_type3A_23 = arith.extui %ge3A_22 : i1 to i32
      %cond3A_24 = arith.constant 0 : i32
      %cond3A_25 = arith.cmpi ne, %convert_element_type3A_23, %cond3A_24 : i32
      scf.if %cond3A_25 {
        %mul3A_32 = arith.constant 2 : i32
        %mul3A_33 = arith.muli %mul3A_32, %scan3A_13 : i32
        %sub3A = arith.constant 2 : i32
        %sub3A_34 = arith.subi %mul3A_33, %sub3A : i32
        %add3A = arith.constant 1 : i32
        %add3A_35 = arith.addi %sub3A_34, %add3A : i32
        %dma_wait3A = arith.constant 0 : i32
        %dma_wait3A_36 = arith.constant 0 : i32
        %dma_wait3A_37 = arith.constant 1 : i32
        %dma_wait3A_38 = arith.constant 1 : i32
        %dma_wait3A_39 = arith.constant 0 : i32
        %dma_wait3A_40 = arith.constant 0 : i32
        %dma_wait3A_41 = tpu.memref_slice %arg7[%dma_wait3A_37, %dma_wait3A_39, %dma_wait3A_40] : memref<2x128x128xf32, #tpu.memory_space<vmem>> -> memref<1x128x128xf32, #tpu.memory_space<vmem>>
        %dma_wait3A_42 = tpu.memref_squeeze %dma_wait3A_41 : memref<1x128x128xf32, #tpu.memory_space<vmem>> -> memref<128x128xf32, #tpu.memory_space<vmem>>
        %dma_wait3A_43 = arith.constant 0 : i32
        %dma_wait3A_44 = tpu.memref_slice %arg6[%dma_wait3A, %dma_wait3A_36, %add3A_35, %dma_wait3A_43] : memref<1x2x40x128xi32, #tpu.memory_space<vmem>> -> memref<1x1x1x128xi32, #tpu.memory_space<vmem>>
        %dma_wait3A_45 = tpu.memref_squeeze %dma_wait3A_44 : memref<1x1x1x128xi32, #tpu.memory_space<vmem>> -> memref<128xi32, #tpu.memory_space<vmem>>
        %dma_wait3A_46 = arith.constant 0 : i32
        %dma_wait3A_47 = arith.constant 0 : i32
        %dma_wait3A_48 = tpu.memref_slice %arg2[%scan3A, %dma_wait3A_46, %dma_wait3A_47] : memref<1x10000x128xf32, #tpu.memory_space<hbm>> -> memref<1x10000x128xf32, #tpu.memory_space<hbm>>
        %dma_wait3A_49 = tpu.memref_squeeze %dma_wait3A_48 : memref<1x10000x128xf32, #tpu.memory_space<hbm>> -> memref<10000x128xf32, #tpu.memory_space<hbm>>
        %dma_wait3A_50 = arith.constant 0 : i32
        %dma_wait3A_51 = arith.constant 0 : i32
        %dma_wait3A_52 = tpu.memref_slice %dma_wait3A_49[%dma_wait3A_50, %dma_wait3A_51] : memref<10000x128xf32, #tpu.memory_space<hbm>> -> memref<10000x128xf32, #tpu.memory_space<hbm>>
        %dma_wait3A_53 = tpu.memref_slice %arg9[%dma_wait3A_38] : memref<2x!tpu.dma_semaphore, #tpu.memory_space<semaphore_mem>> -> memref<1x!tpu.dma_semaphore, #tpu.memory_space<semaphore_mem>>
        %dma_wait3A_54 = tpu.memref_squeeze %dma_wait3A_53 : memref<1x!tpu.dma_semaphore, #tpu.memory_space<semaphore_mem>> -> memref<!tpu.dma_semaphore, #tpu.memory_space<semaphore_mem>>
        tpu.wait_indirect_dma semaphore(%dma_wait3A_54 : memref<!tpu.dma_semaphore, #tpu.memory_space<semaphore_mem>>) src(%dma_wait3A_52 : memref<10000x128xf32, #tpu.memory_space<hbm>>) dst(%dma_wait3A_42 : memref<128x128xf32, #tpu.memory_space<vmem>>)
        %mul3A_55 = arith.constant 2 : i32
        %mul3A_56 = arith.muli %mul3A_55, %scan3A_13 : i32
        %sub3A_57 = arith.constant 2 : i32
        %sub3A_58 = arith.subi %mul3A_56, %sub3A_57 : i32
        %add3A_59 = arith.constant 1 : i32
        %add3A_60 = arith.addi %sub3A_58, %add3A_59 : i32
        %run_scoped3A_61 = arith.constant 1 : i32
        %run_scoped3A_62 = arith.constant 0 : i32
        %run_scoped3A_63 = arith.constant 1 : i32
        "tpu.region"() ({
          %run_scoped3A_64 = tpu.sem_alloc : memref<!tpu.dma_semaphore, #tpu.memory_space<semaphore_mem>>
          %dma_start3A = arith.constant 0 : i32
          %dma_start3A_65 = arith.constant 0 : i32
          %dma_start3A_66 = tpu.memref_slice %arg7[%run_scoped3A_61, %dma_start3A, %dma_start3A_65] : memref<2x128x128xf32, #tpu.memory_space<vmem>> -> memref<1x128x128xf32, #tpu.memory_space<vmem>>
          %dma_start3A_67 = tpu.memref_squeeze %dma_start3A_66 : memref<1x128x128xf32, #tpu.memory_space<vmem>> -> memref<128x128xf32, #tpu.memory_space<vmem>>
          %dma_start3A_68 = arith.constant 0 : i32
          %dma_start3A_69 = tpu.memref_slice %arg6[%run_scoped3A_62, %run_scoped3A_63, %add3A_60, %dma_start3A_68] : memref<1x2x40x128xi32, #tpu.memory_space<vmem>> -> memref<1x1x1x128xi32, #tpu.memory_space<vmem>>
          %dma_start3A_70 = tpu.memref_squeeze %dma_start3A_69 : memref<1x1x1x128xi32, #tpu.memory_space<vmem>> -> memref<128xi32, #tpu.memory_space<vmem>>
          %dma_start3A_71 = arith.constant 0 : i32
          %dma_start3A_72 = arith.constant 0 : i32
          %dma_start3A_73 = tpu.memref_slice %arg8[%dma_start3A_71, %dma_start3A_72] : memref<10112x128xf32, #tpu.memory_space<vmem_shared>> -> memref<10112x128xf32, #tpu.memory_space<vmem_shared>>
          tpu.enqueue_indirect_dma source(%dma_start3A_67 : memref<128x128xf32, #tpu.memory_space<vmem>>) target(%dma_start3A_73 : memref<10112x128xf32, #tpu.memory_space<vmem_shared>>) offsets(%dma_start3A_70 : memref<128xi32, #tpu.memory_space<vmem>>) semaphore(%run_scoped3A_64 : memref<!tpu.dma_semaphore, #tpu.memory_space<semaphore_mem>>) {add = true}
          %dma_wait3A_74 = arith.constant 0 : i32
          %dma_wait3A_75 = arith.constant 0 : i32
          %dma_wait3A_76 = tpu.memref_slice %arg7[%run_scoped3A_61, %dma_wait3A_74, %dma_wait3A_75] : memref<2x128x128xf32, #tpu.memory_space<vmem>> -> memref<1x128x128xf32, #tpu.memory_space<vmem>>
          %dma_wait3A_77 = tpu.memref_squeeze %dma_wait3A_76 : memref<1x128x128xf32, #tpu.memory_space<vmem>> -> memref<128x128xf32, #tpu.memory_space<vmem>>
          %dma_wait3A_78 = arith.constant 0 : i32
          %dma_wait3A_79 = tpu.memref_slice %arg6[%run_scoped3A_62, %run_scoped3A_63, %add3A_60, %dma_wait3A_78] : memref<1x2x40x128xi32, #tpu.memory_space<vmem>> -> memref<1x1x1x128xi32, #tpu.memory_space<vmem>>
          %dma_wait3A_80 = tpu.memref_squeeze %dma_wait3A_79 : memref<1x1x1x128xi32, #tpu.memory_space<vmem>> -> memref<128xi32, #tpu.memory_space<vmem>>
          %dma_wait3A_81 = arith.constant 0 : i32
          %dma_wait3A_82 = arith.constant 0 : i32
          %dma_wait3A_83 = tpu.memref_slice %arg8[%dma_wait3A_81, %dma_wait3A_82] : memref<10112x128xf32, #tpu.memory_space<vmem_shared>> -> memref<10112x128xf32, #tpu.memory_space<vmem_shared>>
          tpu.wait_indirect_dma semaphore(%run_scoped3A_64 : memref<!tpu.dma_semaphore, #tpu.memory_space<semaphore_mem>>) src(%dma_wait3A_77 : memref<128x128xf32, #tpu.memory_space<vmem>>) dst(%dma_wait3A_83 : memref<10112x128xf32, #tpu.memory_space<vmem_shared>>)
          tpu.yield
        }) : () -> ()
      } else {
      }
      %lt3A_26 = arith.constant 20 : i32
      %lt3A_27 = arith.cmpi slt, %scan3A_13, %lt3A_26 : i32
      %convert_element_type3A_28 = arith.extui %lt3A_27 : i1 to i32
      %cond3A_29 = arith.constant 0 : i32
      %cond3A_30 = arith.cmpi ne, %convert_element_type3A_28, %cond3A_29 : i32
      scf.if %cond3A_30 {
        %mul3A_32 = arith.constant 2 : i32
        %mul3A_33 = arith.muli %mul3A_32, %scan3A_13 : i32
        %add3A = arith.constant 1 : i32
        %add3A_34 = arith.addi %mul3A_33, %add3A : i32
        %dma_start3A = arith.constant 0 : i32
        %dma_start3A_35 = arith.constant 0 : i32
        %dma_start3A_36 = arith.constant 1 : i32
        %dma_start3A_37 = arith.constant 1 : i32
        %dma_start3A_38 = arith.constant 0 : i32
        %dma_start3A_39 = arith.constant 0 : i32
        %dma_start3A_40 = tpu.memref_slice %arg7[%dma_start3A_36, %dma_start3A_38, %dma_start3A_39] : memref<2x128x128xf32, #tpu.memory_space<vmem>> -> memref<1x128x128xf32, #tpu.memory_space<vmem>>
        %dma_start3A_41 = tpu.memref_squeeze %dma_start3A_40 : memref<1x128x128xf32, #tpu.memory_space<vmem>> -> memref<128x128xf32, #tpu.memory_space<vmem>>
        %dma_start3A_42 = arith.constant 0 : i32
        %dma_start3A_43 = tpu.memref_slice %arg6[%dma_start3A, %dma_start3A_35, %add3A_34, %dma_start3A_42] : memref<1x2x40x128xi32, #tpu.memory_space<vmem>> -> memref<1x1x1x128xi32, #tpu.memory_space<vmem>>
        %dma_start3A_44 = tpu.memref_squeeze %dma_start3A_43 : memref<1x1x1x128xi32, #tpu.memory_space<vmem>> -> memref<128xi32, #tpu.memory_space<vmem>>
        %dma_start3A_45 = arith.constant 0 : i32
        %dma_start3A_46 = arith.constant 0 : i32
        %dma_start3A_47 = tpu.memref_slice %arg2[%scan3A, %dma_start3A_45, %dma_start3A_46] : memref<1x10000x128xf32, #tpu.memory_space<hbm>> -> memref<1x10000x128xf32, #tpu.memory_space<hbm>>
        %dma_start3A_48 = tpu.memref_squeeze %dma_start3A_47 : memref<1x10000x128xf32, #tpu.memory_space<hbm>> -> memref<10000x128xf32, #tpu.memory_space<hbm>>
        %dma_start3A_49 = arith.constant 0 : i32
        %dma_start3A_50 = arith.constant 0 : i32
        %dma_start3A_51 = tpu.memref_slice %dma_start3A_48[%dma_start3A_49, %dma_start3A_50] : memref<10000x128xf32, #tpu.memory_space<hbm>> -> memref<10000x128xf32, #tpu.memory_space<hbm>>
        %dma_start3A_52 = tpu.memref_slice %arg9[%dma_start3A_37] : memref<2x!tpu.dma_semaphore, #tpu.memory_space<semaphore_mem>> -> memref<1x!tpu.dma_semaphore, #tpu.memory_space<semaphore_mem>>
        %dma_start3A_53 = tpu.memref_squeeze %dma_start3A_52 : memref<1x!tpu.dma_semaphore, #tpu.memory_space<semaphore_mem>> -> memref<!tpu.dma_semaphore, #tpu.memory_space<semaphore_mem>>
        tpu.enqueue_indirect_dma source(%dma_start3A_51 : memref<10000x128xf32, #tpu.memory_space<hbm>>) target(%dma_start3A_41 : memref<128x128xf32, #tpu.memory_space<vmem>>) offsets(%dma_start3A_44 : memref<128xi32, #tpu.memory_space<vmem>>) semaphore(%dma_start3A_53 : memref<!tpu.dma_semaphore, #tpu.memory_space<semaphore_mem>>)
      } else {
      }
      %scan3A_31 = arith.constant 0 : i32
      scf.yield %scan3A_31 : i32
    }
    %scan3A_7 = arith.constant 21 : i32
    %barrier3A_8 = arith.constant 0 : index
    tpu.barrier barrier_id(%barrier3A_8)
    %mul3A_9 = arith.constant 632 : i32
    %mul3A_10 = arith.muli %arg1, %mul3A_9 : i32
    %mul3A_11 = arith.constant 632 : i32
    %mul3A_12 = arith.muli %arg1, %mul3A_11 : i32
    "tpu.region"() ({
      %run_scoped3A_13 = tpu.sem_alloc : memref<!tpu.dma_semaphore, #tpu.memory_space<semaphore_mem>>
      %dma_start3A = arith.constant 0 : i32
      %dma_start3A_14 = tpu.memref_slice %arg5[%arg0, %mul3A_12, %dma_start3A] : memref<2x10112x128xf32, #tpu.memory_space<hbm>> -> memref<1x632x128xf32, #tpu.memory_space<hbm>>
      %dma_start3A_15 = tpu.memref_squeeze %dma_start3A_14 : memref<1x632x128xf32, #tpu.memory_space<hbm>> -> memref<632x128xf32, #tpu.memory_space<hbm>>
      %dma_start3A_16 = arith.constant 0 : i32
      %dma_start3A_17 = tpu.memref_slice %arg8[%mul3A_10, %dma_start3A_16] : memref<10112x128xf32, #tpu.memory_space<vmem_shared>> -> memref<632x128xf32, #tpu.memory_space<vmem_shared>>
      tpu.enqueue_dma source(%dma_start3A_17 : memref<632x128xf32, #tpu.memory_space<vmem_shared>>) target(%dma_start3A_15 : memref<632x128xf32, #tpu.memory_space<hbm>>) target_semaphore(%run_scoped3A_13 : memref<!tpu.dma_semaphore, #tpu.memory_space<semaphore_mem>>)
      %dma_wait3A = arith.constant 0 : i32
      %dma_wait3A_18 = tpu.memref_slice %arg5[%arg0, %mul3A_12, %dma_wait3A] : memref<2x10112x128xf32, #tpu.memory_space<hbm>> -> memref<1x632x128xf32, #tpu.memory_space<hbm>>
      %dma_wait3A_19 = tpu.memref_squeeze %dma_wait3A_18 : memref<1x632x128xf32, #tpu.memory_space<hbm>> -> memref<632x128xf32, #tpu.memory_space<hbm>>
      %dma_wait3A_20 = arith.constant 0 : i32
      %dma_wait3A_21 = tpu.memref_slice %arg8[%mul3A_10, %dma_wait3A_20] : memref<10112x128xf32, #tpu.memory_space<vmem_shared>> -> memref<632x128xf32, #tpu.memory_space<vmem_shared>>
      tpu.wait_dma2 semaphore(%run_scoped3A_13 : memref<!tpu.dma_semaphore, #tpu.memory_space<semaphore_mem>>) src(%dma_wait3A_21 : memref<632x128xf32, #tpu.memory_space<vmem_shared>>) dst(%dma_wait3A_19 : memref<632x128xf32, #tpu.memory_space<hbm>>)
      tpu.yield
    }) : () -> ()
    return
  }
}

#map = affine_map<(d0, d1) -> (0, 0, 0)>
#map1 = affine_map<(d0, d1) -> (0)>
module attributes {stable_mosaic.version = 14 : i64} {
  func.func @_deg_body(%arg0: i32, %arg1: i32, %arg2: memref<32x40x128xi32, #tpu.memory_space<hbm>>, %arg3: memref<320512xf32, #tpu.memory_space<hbm>>, %arg4: memref<40x128xi32, #tpu.memory_space<vmem>>, %arg5: memref<10016xf32, #tpu.memory_space<vmem>>) attributes {dimension_semantics = [#tpu.dimension_semantics<core_parallel>, #tpu.dimension_semantics<subcore_parallel>], iteration_bounds = array<i64: 2, 16>, scalar_prefetch = 0 : i64, scratch_operands = 2 : i64, tpu.core_type = #tpu.core_type<sc_vector_subcore>, window_params = [{transform_indices = #map}, {transform_indices = #map1}]} {
    %mul3A = arith.constant 2 : i32
    %mul3A_0 = arith.muli %arg1, %mul3A : i32
    %add3A = arith.addi %mul3A_0, %arg0 : i32
    %scan3A = arith.constant 0 : i32
    %scan3A_1 = arith.constant 0 : i32
    %scan3A_2 = arith.constant 626 : i32
    %scan3A_3 = arith.addi %scan3A_1, %scan3A_2 : i32
    %scan3A_4 = arith.constant 1 : i32
    %scan3A_5 = scf.for %scan3A_17 = %scan3A_1 to %scan3A_3 step %scan3A_4 iter_args(%scan3A_18 = %scan3A) -> (i32)  : i32 {
      %broadcast_in_dim3A_19 = arith.constant 0.000000e+00 : f32
      %broadcast_in_dim3A_20 = vector.broadcast %broadcast_in_dim3A_19 : f32 to vector<16xf32>
      %mul3A_21 = arith.constant 16 : i32
      %mul3A_22 = arith.muli %scan3A_17, %mul3A_21 : i32
      %swap3A = arith.index_cast %mul3A_22 : i32 to index
      %swap3A_23 = tpu.vector_load %arg5[%swap3A] {strides = array<i32>} : memref<10016xf32, #tpu.memory_space<vmem>>, vector<16xf32>,
      tpu.vector_store %arg5[%swap3A], %broadcast_in_dim3A_20 {strides = array<i32>} : memref<10016xf32, #tpu.memory_space<vmem>>, vector<16xf32>,
      %scan3A_24 = arith.constant 0 : i32
      scf.yield %scan3A_24 : i32
    }
    %scan3A_6 = arith.constant 626 : i32
    "tpu.region"() ({
      %run_scoped3A = tpu.sem_alloc : memref<!tpu.dma_semaphore, #tpu.memory_space<semaphore_mem>>
      %dma_start3A = arith.constant 0 : i32
      %dma_start3A_17 = arith.constant 0 : i32
      %dma_start3A_18 = tpu.memref_slice %arg2[%add3A, %dma_start3A, %dma_start3A_17] : memref<32x40x128xi32, #tpu.memory_space<hbm>> -> memref<1x40x128xi32, #tpu.memory_space<hbm>>
      %dma_start3A_19 = tpu.memref_squeeze %dma_start3A_18 : memref<1x40x128xi32, #tpu.memory_space<hbm>> -> memref<40x128xi32, #tpu.memory_space<hbm>>
      %dma_start3A_20 = arith.constant 0 : i32
      %dma_start3A_21 = arith.constant 0 : i32
      %dma_start3A_22 = tpu.memref_slice %arg2[%add3A, %dma_start3A_20, %dma_start3A_21] : memref<32x40x128xi32, #tpu.memory_space<hbm>> -> memref<1x40x128xi32, #tpu.memory_space<hbm>>
      %dma_start3A_23 = tpu.memref_squeeze %dma_start3A_22 : memref<1x40x128xi32, #tpu.memory_space<hbm>> -> memref<40x128xi32, #tpu.memory_space<hbm>>
      tpu.enqueue_dma source(%dma_start3A_23 : memref<40x128xi32, #tpu.memory_space<hbm>>) target(%arg4 : memref<40x128xi32, #tpu.memory_space<vmem>>) target_semaphore(%run_scoped3A : memref<!tpu.dma_semaphore, #tpu.memory_space<semaphore_mem>>)
      %dma_wait3A = arith.constant 0 : i32
      %dma_wait3A_24 = arith.constant 0 : i32
      %dma_wait3A_25 = tpu.memref_slice %arg2[%add3A, %dma_wait3A, %dma_wait3A_24] : memref<32x40x128xi32, #tpu.memory_space<hbm>> -> memref<1x40x128xi32, #tpu.memory_space<hbm>>
      %dma_wait3A_26 = tpu.memref_squeeze %dma_wait3A_25 : memref<1x40x128xi32, #tpu.memory_space<hbm>> -> memref<40x128xi32, #tpu.memory_space<hbm>>
      %dma_wait3A_27 = arith.constant 0 : i32
      %dma_wait3A_28 = arith.constant 0 : i32
      %dma_wait3A_29 = tpu.memref_slice %arg2[%add3A, %dma_wait3A_27, %dma_wait3A_28] : memref<32x40x128xi32, #tpu.memory_space<hbm>> -> memref<1x40x128xi32, #tpu.memory_space<hbm>>
      %dma_wait3A_30 = tpu.memref_squeeze %dma_wait3A_29 : memref<1x40x128xi32, #tpu.memory_space<hbm>> -> memref<40x128xi32, #tpu.memory_space<hbm>>
      tpu.wait_dma2 semaphore(%run_scoped3A : memref<!tpu.dma_semaphore, #tpu.memory_space<semaphore_mem>>) src(%dma_wait3A_30 : memref<40x128xi32, #tpu.memory_space<hbm>>) dst(%arg4 : memref<40x128xi32, #tpu.memory_space<vmem>>)
      tpu.yield
    }) : () -> ()
    %broadcast_in_dim3A = arith.constant 1.000000e+00 : f32
    %broadcast_in_dim3A_7 = vector.broadcast %broadcast_in_dim3A : f32 to vector<16xf32>
    %scan3A_8 = arith.constant 0 : i32
    %scan3A_9 = arith.constant 0 : i32
    %scan3A_10 = arith.constant 40 : i32
    %scan3A_11 = arith.addi %scan3A_9, %scan3A_10 : i32
    %scan3A_12 = arith.constant 1 : i32
    %scan3A_13 = scf.for %scan3A_17 = %scan3A_9 to %scan3A_11 step %scan3A_12 iter_args(%scan3A_18 = %scan3A_8) -> (i32)  : i32 {
      %get3A = arith.index_cast %scan3A_17 : i32 to index
      %get3A_19 = arith.constant 0 : index
      %get3A_20 = tpu.vector_load %arg4[%get3A, %get3A_19] {strides = array<i32>} : memref<40x128xi32, #tpu.memory_space<vmem>>, vector<16xi32>,
      tpu.vector_store_idx %arg5[%get3A_20], %broadcast_in_dim3A_7 {add = true} : memref<10016xf32, #tpu.memory_space<vmem>>[vector<16xi32>], vector<16xf32>,
      %get3A_21 = arith.index_cast %scan3A_17 : i32 to index
      %get3A_22 = arith.constant 16 : index
      %get3A_23 = tpu.vector_load %arg4[%get3A_21, %get3A_22] {strides = array<i32>} : memref<40x128xi32, #tpu.memory_space<vmem>>, vector<16xi32>,
      tpu.vector_store_idx %arg5[%get3A_23], %broadcast_in_dim3A_7 {add = true} : memref<10016xf32, #tpu.memory_space<vmem>>[vector<16xi32>], vector<16xf32>,
      %get3A_24 = arith.index_cast %scan3A_17 : i32 to index
      %get3A_25 = arith.constant 32 : index
      %get3A_26 = tpu.vector_load %arg4[%get3A_24, %get3A_25] {strides = array<i32>} : memref<40x128xi32, #tpu.memory_space<vmem>>, vector<16xi32>,
      tpu.vector_store_idx %arg5[%get3A_26], %broadcast_in_dim3A_7 {add = true} : memref<10016xf32, #tpu.memory_space<vmem>>[vector<16xi32>], vector<16xf32>,
      %get3A_27 = arith.index_cast %scan3A_17 : i32 to index
      %get3A_28 = arith.constant 48 : index
      %get3A_29 = tpu.vector_load %arg4[%get3A_27, %get3A_28] {strides = array<i32>} : memref<40x128xi32, #tpu.memory_space<vmem>>, vector<16xi32>,
      tpu.vector_store_idx %arg5[%get3A_29], %broadcast_in_dim3A_7 {add = true} : memref<10016xf32, #tpu.memory_space<vmem>>[vector<16xi32>], vector<16xf32>,
      %get3A_30 = arith.index_cast %scan3A_17 : i32 to index
      %get3A_31 = arith.constant 64 : index
      %get3A_32 = tpu.vector_load %arg4[%get3A_30, %get3A_31] {strides = array<i32>} : memref<40x128xi32, #tpu.memory_space<vmem>>, vector<16xi32>,
      tpu.vector_store_idx %arg5[%get3A_32], %broadcast_in_dim3A_7 {add = true} : memref<10016xf32, #tpu.memory_space<vmem>>[vector<16xi32>], vector<16xf32>,
      %get3A_33 = arith.index_cast %scan3A_17 : i32 to index
      %get3A_34 = arith.constant 80 : index
      %get3A_35 = tpu.vector_load %arg4[%get3A_33, %get3A_34] {strides = array<i32>} : memref<40x128xi32, #tpu.memory_space<vmem>>, vector<16xi32>,
      tpu.vector_store_idx %arg5[%get3A_35], %broadcast_in_dim3A_7 {add = true} : memref<10016xf32, #tpu.memory_space<vmem>>[vector<16xi32>], vector<16xf32>,
      %get3A_36 = arith.index_cast %scan3A_17 : i32 to index
      %get3A_37 = arith.constant 96 : index
      %get3A_38 = tpu.vector_load %arg4[%get3A_36, %get3A_37] {strides = array<i32>} : memref<40x128xi32, #tpu.memory_space<vmem>>, vector<16xi32>,
      tpu.vector_store_idx %arg5[%get3A_38], %broadcast_in_dim3A_7 {add = true} : memref<10016xf32, #tpu.memory_space<vmem>>[vector<16xi32>], vector<16xf32>,
      %get3A_39 = arith.index_cast %scan3A_17 : i32 to index
      %get3A_40 = arith.constant 112 : index
      %get3A_41 = tpu.vector_load %arg4[%get3A_39, %get3A_40] {strides = array<i32>} : memref<40x128xi32, #tpu.memory_space<vmem>>, vector<16xi32>,
      tpu.vector_store_idx %arg5[%get3A_41], %broadcast_in_dim3A_7 {add = true} : memref<10016xf32, #tpu.memory_space<vmem>>[vector<16xi32>], vector<16xf32>,
      %scan3A_42 = arith.constant 0 : i32
      scf.yield %scan3A_42 : i32
    }
    %scan3A_14 = arith.constant 40 : i32
    %mul3A_15 = arith.constant 10016 : i32
    %mul3A_16 = arith.muli %add3A, %mul3A_15 : i32
    "tpu.region"() ({
      %run_scoped3A = tpu.sem_alloc : memref<!tpu.dma_semaphore, #tpu.memory_space<semaphore_mem>>
      %dma_start3A = tpu.memref_slice %arg3[%mul3A_16] : memref<320512xf32, #tpu.memory_space<hbm>> -> memref<10016xf32, #tpu.memory_space<hbm>>
      %dma_start3A_17 = tpu.memref_slice %arg3[%mul3A_16] : memref<320512xf32, #tpu.memory_space<hbm>> -> memref<10016xf32, #tpu.memory_space<hbm>>
      tpu.enqueue_dma source(%arg5 : memref<10016xf32, #tpu.memory_space<vmem>>) target(%dma_start3A_17 : memref<10016xf32, #tpu.memory_space<hbm>>) target_semaphore(%run_scoped3A : memref<!tpu.dma_semaphore, #tpu.memory_space<semaphore_mem>>)
      %dma_wait3A = tpu.memref_slice %arg3[%mul3A_16] : memref<320512xf32, #tpu.memory_space<hbm>> -> memref<10016xf32, #tpu.memory_space<hbm>>
      %dma_wait3A_18 = tpu.memref_slice %arg3[%mul3A_16] : memref<320512xf32, #tpu.memory_space<hbm>> -> memref<10016xf32, #tpu.memory_space<hbm>>
      tpu.wait_dma2 semaphore(%run_scoped3A : memref<!tpu.dma_semaphore, #tpu.memory_space<semaphore_mem>>) src(%arg5 : memref<10016xf32, #tpu.memory_space<vmem>>) dst(%dma_wait3A_18 : memref<10016xf32, #tpu.memory_space<hbm>>)
      tpu.yield
    }) : () -> ()
    return
  }
}

#map = affine_map<(d0, d1) -> (0, 0, 0)>
#map1 = affine_map<(d0, d1) -> (0, 0, 0, 0, 0)>
#map2 = affine_map<(d0, d1) -> (0, 0)>
module attributes {stable_mosaic.version = 14 : i64} {
  func.func @body(%arg0: i32, %arg1: i32, %arg2: memref<2x10000x128xf32, #tpu.memory_space<hbm>>, %arg3: memref<16x2x2x40x128xi32, #tpu.memory_space<hbm>>, %arg4: memref<632x128xf32, #tpu.memory_space<hbm>>, %arg5: memref<2x10112x128xf32, #tpu.memory_space<hbm>>, %arg6: memref<1x2x40x128xi32, #tpu.memory_space<vmem>>, %arg7: memref<2x128x128xf32, #tpu.memory_space<vmem>>, %arg8: memref<10112x128xf32, #tpu.memory_space<vmem_shared>>, %arg9: memref<2x!tpu.dma_semaphore, #tpu.memory_space<semaphore_mem>>) attributes {dimension_semantics = [#tpu.dimension_semantics<core_parallel>, #tpu.dimension_semantics<subcore_parallel>], iteration_bounds = array<i64: 2, 16>, scalar_prefetch = 0 : i64, scratch_operands = 4 : i64, tpu.core_type = #tpu.core_type<sc_vector_subcore>, window_params = [{transform_indices = #map}, {transform_indices = #map1}, {transform_indices = #map2}, {transform_indices = #map}]} {
    %mul3A = arith.constant 632 : i32
    %mul3A_0 = arith.muli %arg1, %mul3A : i32
    "tpu.region"() ({
      %run_scoped3A_22 = tpu.sem_alloc : memref<!tpu.dma_semaphore, #tpu.memory_space<semaphore_mem>>
      %dma_start3A = arith.constant 0 : i32
      %dma_start3A_23 = tpu.memref_slice %arg8[%mul3A_0, %dma_start3A] : memref<10112x128xf32, #tpu.memory_space<vmem_shared>> -> memref<632x128xf32, #tpu.memory_space<vmem_shared>>
      tpu.enqueue_dma source(%arg4 : memref<632x128xf32, #tpu.memory_space<hbm>>) target(%dma_start3A_23 : memref<632x128xf32, #tpu.memory_space<vmem_shared>>) target_semaphore(%run_scoped3A_22 : memref<!tpu.dma_semaphore, #tpu.memory_space<semaphore_mem>>)
      %dma_wait3A = arith.constant 0 : i32
      %dma_wait3A_24 = tpu.memref_slice %arg8[%mul3A_0, %dma_wait3A] : memref<10112x128xf32, #tpu.memory_space<vmem_shared>> -> memref<632x128xf32, #tpu.memory_space<vmem_shared>>
      tpu.wait_dma2 semaphore(%run_scoped3A_22 : memref<!tpu.dma_semaphore, #tpu.memory_space<semaphore_mem>>) src(%arg4 : memref<632x128xf32, #tpu.memory_space<hbm>>) dst(%dma_wait3A_24 : memref<632x128xf32, #tpu.memory_space<vmem_shared>>)
      tpu.yield
    }) : () -> ()
    %barrier3A = arith.constant 0 : index
    tpu.barrier barrier_id(%barrier3A)
    %run_scoped3A = arith.constant 0 : i32
    %run_scoped3A_1 = arith.constant 0 : i32
    "tpu.region"() ({
      %run_scoped3A_22 = tpu.sem_alloc : memref<!tpu.dma_semaphore, #tpu.memory_space<semaphore_mem>>
      %dma_start3A = arith.constant 0 : i32
      %dma_start3A_23 = arith.constant 0 : i32
      %dma_start3A_24 = arith.constant 0 : i32
      %dma_start3A_25 = tpu.memref_slice %arg6[%run_scoped3A_1, %dma_start3A, %dma_start3A_23, %dma_start3A_24] : memref<1x2x40x128xi32, #tpu.memory_space<vmem>> -> memref<1x2x40x128xi32, #tpu.memory_space<vmem>>
      %dma_start3A_26 = tpu.memref_squeeze %dma_start3A_25 : memref<1x2x40x128xi32, #tpu.memory_space<vmem>> -> memref<2x40x128xi32, #tpu.memory_space<vmem>>
      %dma_start3A_27 = arith.constant 0 : i32
      %dma_start3A_28 = arith.constant 0 : i32
      %dma_start3A_29 = arith.constant 0 : i32
      %dma_start3A_30 = tpu.memref_slice %arg3[%arg1, %run_scoped3A, %dma_start3A_27, %dma_start3A_28, %dma_start3A_29] : memref<16x2x2x40x128xi32, #tpu.memory_space<hbm>> -> memref<1x1x2x40x128xi32, #tpu.memory_space<hbm>>
      %dma_start3A_31 = tpu.memref_squeeze %dma_start3A_30 : memref<1x1x2x40x128xi32, #tpu.memory_space<hbm>> -> memref<2x40x128xi32, #tpu.memory_space<hbm>>
      %dma_start3A_32 = arith.constant 0 : i32
      %dma_start3A_33 = arith.constant 0 : i32
      %dma_start3A_34 = arith.constant 0 : i32
      %dma_start3A_35 = tpu.memref_slice %arg6[%run_scoped3A_1, %dma_start3A_32, %dma_start3A_33, %dma_start3A_34] : memref<1x2x40x128xi32, #tpu.memory_space<vmem>> -> memref<1x2x40x128xi32, #tpu.memory_space<vmem>>
      %dma_start3A_36 = tpu.memref_squeeze %dma_start3A_35 : memref<1x2x40x128xi32, #tpu.memory_space<vmem>> -> memref<2x40x128xi32, #tpu.memory_space<vmem>>
      %dma_start3A_37 = arith.constant 0 : i32
      %dma_start3A_38 = arith.constant 0 : i32
      %dma_start3A_39 = arith.constant 0 : i32
      %dma_start3A_40 = tpu.memref_slice %arg3[%arg1, %run_scoped3A, %dma_start3A_37, %dma_start3A_38, %dma_start3A_39] : memref<16x2x2x40x128xi32, #tpu.memory_space<hbm>> -> memref<1x1x2x40x128xi32, #tpu.memory_space<hbm>>
      %dma_start3A_41 = tpu.memref_squeeze %dma_start3A_40 : memref<1x1x2x40x128xi32, #tpu.memory_space<hbm>> -> memref<2x40x128xi32, #tpu.memory_space<hbm>>
      tpu.enqueue_dma source(%dma_start3A_41 : memref<2x40x128xi32, #tpu.memory_space<hbm>>) target(%dma_start3A_36 : memref<2x40x128xi32, #tpu.memory_space<vmem>>) target_semaphore(%run_scoped3A_22 : memref<!tpu.dma_semaphore, #tpu.memory_space<semaphore_mem>>)
      %dma_wait3A = arith.constant 0 : i32
      %dma_wait3A_42 = arith.constant 0 : i32
      %dma_wait3A_43 = arith.constant 0 : i32
      %dma_wait3A_44 = tpu.memref_slice %arg6[%run_scoped3A_1, %dma_wait3A, %dma_wait3A_42, %dma_wait3A_43] : memref<1x2x40x128xi32, #tpu.memory_space<vmem>> -> memref<1x2x40x128xi32, #tpu.memory_space<vmem>>
      %dma_wait3A_45 = tpu.memref_squeeze %dma_wait3A_44 : memref<1x2x40x128xi32, #tpu.memory_space<vmem>> -> memref<2x40x128xi32, #tpu.memory_space<vmem>>
      %dma_wait3A_46 = arith.constant 0 : i32
      %dma_wait3A_47 = arith.constant 0 : i32
      %dma_wait3A_48 = arith.constant 0 : i32
      %dma_wait3A_49 = tpu.memref_slice %arg3[%arg1, %run_scoped3A, %dma_wait3A_46, %dma_wait3A_47, %dma_wait3A_48] : memref<16x2x2x40x128xi32, #tpu.memory_space<hbm>> -> memref<1x1x2x40x128xi32, #tpu.memory_space<hbm>>
      %dma_wait3A_50 = tpu.memref_squeeze %dma_wait3A_49 : memref<1x1x2x40x128xi32, #tpu.memory_space<hbm>> -> memref<2x40x128xi32, #tpu.memory_space<hbm>>
      %dma_wait3A_51 = arith.constant 0 : i32
      %dma_wait3A_52 = arith.constant 0 : i32
      %dma_wait3A_53 = arith.constant 0 : i32
      %dma_wait3A_54 = tpu.memref_slice %arg6[%run_scoped3A_1, %dma_wait3A_51, %dma_wait3A_52, %dma_wait3A_53] : memref<1x2x40x128xi32, #tpu.memory_space<vmem>> -> memref<1x2x40x128xi32, #tpu.memory_space<vmem>>
      %dma_wait3A_55 = tpu.memref_squeeze %dma_wait3A_54 : memref<1x2x40x128xi32, #tpu.memory_space<vmem>> -> memref<2x40x128xi32, #tpu.memory_space<vmem>>
      %dma_wait3A_56 = arith.constant 0 : i32
      %dma_wait3A_57 = arith.constant 0 : i32
      %dma_wait3A_58 = arith.constant 0 : i32
      %dma_wait3A_59 = tpu.memref_slice %arg3[%arg1, %run_scoped3A, %dma_wait3A_56, %dma_wait3A_57, %dma_wait3A_58] : memref<16x2x2x40x128xi32, #tpu.memory_space<hbm>> -> memref<1x1x2x40x128xi32, #tpu.memory_space<hbm>>
      %dma_wait3A_60 = tpu.memref_squeeze %dma_wait3A_59 : memref<1x1x2x40x128xi32, #tpu.memory_space<hbm>> -> memref<2x40x128xi32, #tpu.memory_space<hbm>>
      tpu.wait_dma2 semaphore(%run_scoped3A_22 : memref<!tpu.dma_semaphore, #tpu.memory_space<semaphore_mem>>) src(%dma_wait3A_60 : memref<2x40x128xi32, #tpu.memory_space<hbm>>) dst(%dma_wait3A_55 : memref<2x40x128xi32, #tpu.memory_space<vmem>>)
      tpu.yield
    }) : () -> ()
    %scan3A = arith.constant 0 : i32
    %scan3A_2 = arith.constant 0 : i32
    %scan3A_3 = arith.constant 21 : i32
    %scan3A_4 = arith.addi %scan3A_2, %scan3A_3 : i32
    %scan3A_5 = arith.constant 1 : i32
    %scan3A_6 = scf.for %scan3A_22 = %scan3A_2 to %scan3A_4 step %scan3A_5 iter_args(%scan3A_23 = %scan3A) -> (i32)  : i32 {
      %ge3A = arith.constant 1 : i32
      %ge3A_24 = arith.cmpi sge, %scan3A_22, %ge3A : i32
      %convert_element_type3A = arith.extui %ge3A_24 : i1 to i32
      %cond3A = arith.constant 0 : i32
      %cond3A_25 = arith.cmpi ne, %convert_element_type3A, %cond3A : i32
      scf.if %cond3A_25 {
        %mul3A_41 = arith.constant 2 : i32
        %mul3A_42 = arith.muli %mul3A_41, %scan3A_22 : i32
        %sub3A = arith.constant 2 : i32
        %sub3A_43 = arith.subi %mul3A_42, %sub3A : i32
        %add3A = arith.constant 0 : i32
        %add3A_44 = arith.addi %sub3A_43, %add3A : i32
        %dma_wait3A = arith.constant 0 : i32
        %dma_wait3A_45 = arith.constant 0 : i32
        %dma_wait3A_46 = arith.constant 0 : i32
        %dma_wait3A_47 = arith.constant 0 : i32
        %dma_wait3A_48 = arith.constant 0 : i32
        %dma_wait3A_49 = arith.constant 0 : i32
        %dma_wait3A_50 = tpu.memref_slice %arg7[%dma_wait3A_46, %dma_wait3A_48, %dma_wait3A_49] : memref<2x128x128xf32, #tpu.memory_space<vmem>> -> memref<1x128x128xf32, #tpu.memory_space<vmem>>
        %dma_wait3A_51 = tpu.memref_squeeze %dma_wait3A_50 : memref<1x128x128xf32, #tpu.memory_space<vmem>> -> memref<128x128xf32, #tpu.memory_space<vmem>>
        %dma_wait3A_52 = arith.constant 0 : i32
        %dma_wait3A_53 = tpu.memref_slice %arg6[%dma_wait3A, %dma_wait3A_45, %add3A_44, %dma_wait3A_52] : memref<1x2x40x128xi32, #tpu.memory_space<vmem>> -> memref<1x1x1x128xi32, #tpu.memory_space<vmem>>
        %dma_wait3A_54 = tpu.memref_squeeze %dma_wait3A_53 : memref<1x1x1x128xi32, #tpu.memory_space<vmem>> -> memref<128xi32, #tpu.memory_space<vmem>>
        %dma_wait3A_55 = arith.constant 0 : i32
        %dma_wait3A_56 = arith.constant 0 : i32
        %dma_wait3A_57 = tpu.memref_slice %arg2[%arg0, %dma_wait3A_55, %dma_wait3A_56] : memref<2x10000x128xf32, #tpu.memory_space<hbm>> -> memref<1x10000x128xf32, #tpu.memory_space<hbm>>
        %dma_wait3A_58 = tpu.memref_squeeze %dma_wait3A_57 : memref<1x10000x128xf32, #tpu.memory_space<hbm>> -> memref<10000x128xf32, #tpu.memory_space<hbm>>
        %dma_wait3A_59 = arith.constant 0 : i32
        %dma_wait3A_60 = arith.constant 0 : i32
        %dma_wait3A_61 = tpu.memref_slice %dma_wait3A_58[%dma_wait3A_59, %dma_wait3A_60] : memref<10000x128xf32, #tpu.memory_space<hbm>> -> memref<10000x128xf32, #tpu.memory_space<hbm>>
        %dma_wait3A_62 = tpu.memref_slice %arg9[%dma_wait3A_47] : memref<2x!tpu.dma_semaphore, #tpu.memory_space<semaphore_mem>> -> memref<1x!tpu.dma_semaphore, #tpu.memory_space<semaphore_mem>>
        %dma_wait3A_63 = tpu.memref_squeeze %dma_wait3A_62 : memref<1x!tpu.dma_semaphore, #tpu.memory_space<semaphore_mem>> -> memref<!tpu.dma_semaphore, #tpu.memory_space<semaphore_mem>>
        tpu.wait_indirect_dma semaphore(%dma_wait3A_63 : memref<!tpu.dma_semaphore, #tpu.memory_space<semaphore_mem>>) src(%dma_wait3A_61 : memref<10000x128xf32, #tpu.memory_space<hbm>>) dst(%dma_wait3A_51 : memref<128x128xf32, #tpu.memory_space<vmem>>)
        %mul3A_64 = arith.constant 2 : i32
        %mul3A_65 = arith.muli %mul3A_64, %scan3A_22 : i32
        %sub3A_66 = arith.constant 2 : i32
        %sub3A_67 = arith.subi %mul3A_65, %sub3A_66 : i32
        %add3A_68 = arith.constant 0 : i32
        %add3A_69 = arith.addi %sub3A_67, %add3A_68 : i32
        %run_scoped3A_70 = arith.constant 0 : i32
        %run_scoped3A_71 = arith.constant 0 : i32
        %run_scoped3A_72 = arith.constant 1 : i32
        "tpu.region"() ({
          %run_scoped3A_73 = tpu.sem_alloc : memref<!tpu.dma_semaphore, #tpu.memory_space<semaphore_mem>>
          %dma_start3A = arith.constant 0 : i32
          %dma_start3A_74 = arith.constant 0 : i32
          %dma_start3A_75 = tpu.memref_slice %arg7[%run_scoped3A_70, %dma_start3A, %dma_start3A_74] : memref<2x128x128xf32, #tpu.memory_space<vmem>> -> memref<1x128x128xf32, #tpu.memory_space<vmem>>
          %dma_start3A_76 = tpu.memref_squeeze %dma_start3A_75 : memref<1x128x128xf32, #tpu.memory_space<vmem>> -> memref<128x128xf32, #tpu.memory_space<vmem>>
          %dma_start3A_77 = arith.constant 0 : i32
          %dma_start3A_78 = tpu.memref_slice %arg6[%run_scoped3A_71, %run_scoped3A_72, %add3A_69, %dma_start3A_77] : memref<1x2x40x128xi32, #tpu.memory_space<vmem>> -> memref<1x1x1x128xi32, #tpu.memory_space<vmem>>
          %dma_start3A_79 = tpu.memref_squeeze %dma_start3A_78 : memref<1x1x1x128xi32, #tpu.memory_space<vmem>> -> memref<128xi32, #tpu.memory_space<vmem>>
          %dma_start3A_80 = arith.constant 0 : i32
          %dma_start3A_81 = arith.constant 0 : i32
          %dma_start3A_82 = tpu.memref_slice %arg8[%dma_start3A_80, %dma_start3A_81] : memref<10112x128xf32, #tpu.memory_space<vmem_shared>> -> memref<10112x128xf32, #tpu.memory_space<vmem_shared>>
          tpu.enqueue_indirect_dma source(%dma_start3A_76 : memref<128x128xf32, #tpu.memory_space<vmem>>) target(%dma_start3A_82 : memref<10112x128xf32, #tpu.memory_space<vmem_shared>>) offsets(%dma_start3A_79 : memref<128xi32, #tpu.memory_space<vmem>>) semaphore(%run_scoped3A_73 : memref<!tpu.dma_semaphore, #tpu.memory_space<semaphore_mem>>) {add = true}
          %dma_wait3A_83 = arith.constant 0 : i32
          %dma_wait3A_84 = arith.constant 0 : i32
          %dma_wait3A_85 = tpu.memref_slice %arg7[%run_scoped3A_70, %dma_wait3A_83, %dma_wait3A_84] : memref<2x128x128xf32, #tpu.memory_space<vmem>> -> memref<1x128x128xf32, #tpu.memory_space<vmem>>
          %dma_wait3A_86 = tpu.memref_squeeze %dma_wait3A_85 : memref<1x128x128xf32, #tpu.memory_space<vmem>> -> memref<128x128xf32, #tpu.memory_space<vmem>>
          %dma_wait3A_87 = arith.constant 0 : i32
          %dma_wait3A_88 = tpu.memref_slice %arg6[%run_scoped3A_71, %run_scoped3A_72, %add3A_69, %dma_wait3A_87] : memref<1x2x40x128xi32, #tpu.memory_space<vmem>> -> memref<1x1x1x128xi32, #tpu.memory_space<vmem>>
          %dma_wait3A_89 = tpu.memref_squeeze %dma_wait3A_88 : memref<1x1x1x128xi32, #tpu.memory_space<vmem>> -> memref<128xi32, #tpu.memory_space<vmem>>
          %dma_wait3A_90 = arith.constant 0 : i32
          %dma_wait3A_91 = arith.constant 0 : i32
          %dma_wait3A_92 = tpu.memref_slice %arg8[%dma_wait3A_90, %dma_wait3A_91] : memref<10112x128xf32, #tpu.memory_space<vmem_shared>> -> memref<10112x128xf32, #tpu.memory_space<vmem_shared>>
          tpu.wait_indirect_dma semaphore(%run_scoped3A_73 : memref<!tpu.dma_semaphore, #tpu.memory_space<semaphore_mem>>) src(%dma_wait3A_86 : memref<128x128xf32, #tpu.memory_space<vmem>>) dst(%dma_wait3A_92 : memref<10112x128xf32, #tpu.memory_space<vmem_shared>>)
          tpu.yield
        }) : () -> ()
      } else {
      }
      %lt3A = arith.constant 20 : i32
      %lt3A_26 = arith.cmpi slt, %scan3A_22, %lt3A : i32
      %convert_element_type3A_27 = arith.extui %lt3A_26 : i1 to i32
      %cond3A_28 = arith.constant 0 : i32
      %cond3A_29 = arith.cmpi ne, %convert_element_type3A_27, %cond3A_28 : i32
      scf.if %cond3A_29 {
        %mul3A_41 = arith.constant 2 : i32
        %mul3A_42 = arith.muli %mul3A_41, %scan3A_22 : i32
        %add3A = arith.constant 0 : i32
        %add3A_43 = arith.addi %mul3A_42, %add3A : i32
        %dma_start3A = arith.constant 0 : i32
        %dma_start3A_44 = arith.constant 0 : i32
        %dma_start3A_45 = arith.constant 0 : i32
        %dma_start3A_46 = arith.constant 0 : i32
        %dma_start3A_47 = arith.constant 0 : i32
        %dma_start3A_48 = arith.constant 0 : i32
        %dma_start3A_49 = tpu.memref_slice %arg7[%dma_start3A_45, %dma_start3A_47, %dma_start3A_48] : memref<2x128x128xf32, #tpu.memory_space<vmem>> -> memref<1x128x128xf32, #tpu.memory_space<vmem>>
        %dma_start3A_50 = tpu.memref_squeeze %dma_start3A_49 : memref<1x128x128xf32, #tpu.memory_space<vmem>> -> memref<128x128xf32, #tpu.memory_space<vmem>>
        %dma_start3A_51 = arith.constant 0 : i32
        %dma_start3A_52 = tpu.memref_slice %arg6[%dma_start3A, %dma_start3A_44, %add3A_43, %dma_start3A_51] : memref<1x2x40x128xi32, #tpu.memory_space<vmem>> -> memref<1x1x1x128xi32, #tpu.memory_space<vmem>>
        %dma_start3A_53 = tpu.memref_squeeze %dma_start3A_52 : memref<1x1x1x128xi32, #tpu.memory_space<vmem>> -> memref<128xi32, #tpu.memory_space<vmem>>
        %dma_start3A_54 = arith.constant 0 : i32
        %dma_start3A_55 = arith.constant 0 : i32
        %dma_start3A_56 = tpu.memref_slice %arg2[%arg0, %dma_start3A_54, %dma_start3A_55] : memref<2x10000x128xf32, #tpu.memory_space<hbm>> -> memref<1x10000x128xf32, #tpu.memory_space<hbm>>
        %dma_start3A_57 = tpu.memref_squeeze %dma_start3A_56 : memref<1x10000x128xf32, #tpu.memory_space<hbm>> -> memref<10000x128xf32, #tpu.memory_space<hbm>>
        %dma_start3A_58 = arith.constant 0 : i32
        %dma_start3A_59 = arith.constant 0 : i32
        %dma_start3A_60 = tpu.memref_slice %dma_start3A_57[%dma_start3A_58, %dma_start3A_59] : memref<10000x128xf32, #tpu.memory_space<hbm>> -> memref<10000x128xf32, #tpu.memory_space<hbm>>
        %dma_start3A_61 = tpu.memref_slice %arg9[%dma_start3A_46] : memref<2x!tpu.dma_semaphore, #tpu.memory_space<semaphore_mem>> -> memref<1x!tpu.dma_semaphore, #tpu.memory_space<semaphore_mem>>
        %dma_start3A_62 = tpu.memref_squeeze %dma_start3A_61 : memref<1x!tpu.dma_semaphore, #tpu.memory_space<semaphore_mem>> -> memref<!tpu.dma_semaphore, #tpu.memory_space<semaphore_mem>>
        tpu.enqueue_indirect_dma source(%dma_start3A_60 : memref<10000x128xf32, #tpu.memory_space<hbm>>) target(%dma_start3A_50 : memref<128x128xf32, #tpu.memory_space<vmem>>) offsets(%dma_start3A_53 : memref<128xi32, #tpu.memory_space<vmem>>) semaphore(%dma_start3A_62 : memref<!tpu.dma_semaphore, #tpu.memory_space<semaphore_mem>>)
      } else {
      }
      %ge3A_30 = arith.constant 1 : i32
      %ge3A_31 = arith.cmpi sge, %scan3A_22, %ge3A_30 : i32
      %convert_element_type3A_32 = arith.extui %ge3A_31 : i1 to i32
      %cond3A_33 = arith.constant 0 : i32
      %cond3A_34 = arith.cmpi ne, %convert_element_type3A_32, %cond3A_33 : i32
      scf.if %cond3A_34 {
        %mul3A_41 = arith.constant 2 : i32
        %mul3A_42 = arith.muli %mul3A_41, %scan3A_22 : i32
        %sub3A = arith.constant 2 : i32
        %sub3A_43 = arith.subi %mul3A_42, %sub3A : i32
        %add3A = arith.constant 1 : i32
        %add3A_44 = arith.addi %sub3A_43, %add3A : i32
        %dma_wait3A = arith.constant 0 : i32
        %dma_wait3A_45 = arith.constant 0 : i32
        %dma_wait3A_46 = arith.constant 1 : i32
        %dma_wait3A_47 = arith.constant 1 : i32
        %dma_wait3A_48 = arith.constant 0 : i32
        %dma_wait3A_49 = arith.constant 0 : i32
        %dma_wait3A_50 = tpu.memref_slice %arg7[%dma_wait3A_46, %dma_wait3A_48, %dma_wait3A_49] : memref<2x128x128xf32, #tpu.memory_space<vmem>> -> memref<1x128x128xf32, #tpu.memory_space<vmem>>
        %dma_wait3A_51 = tpu.memref_squeeze %dma_wait3A_50 : memref<1x128x128xf32, #tpu.memory_space<vmem>> -> memref<128x128xf32, #tpu.memory_space<vmem>>
        %dma_wait3A_52 = arith.constant 0 : i32
        %dma_wait3A_53 = tpu.memref_slice %arg6[%dma_wait3A, %dma_wait3A_45, %add3A_44, %dma_wait3A_52] : memref<1x2x40x128xi32, #tpu.memory_space<vmem>> -> memref<1x1x1x128xi32, #tpu.memory_space<vmem>>
        %dma_wait3A_54 = tpu.memref_squeeze %dma_wait3A_53 : memref<1x1x1x128xi32, #tpu.memory_space<vmem>> -> memref<128xi32, #tpu.memory_space<vmem>>
        %dma_wait3A_55 = arith.constant 0 : i32
        %dma_wait3A_56 = arith.constant 0 : i32
        %dma_wait3A_57 = tpu.memref_slice %arg2[%arg0, %dma_wait3A_55, %dma_wait3A_56] : memref<2x10000x128xf32, #tpu.memory_space<hbm>> -> memref<1x10000x128xf32, #tpu.memory_space<hbm>>
        %dma_wait3A_58 = tpu.memref_squeeze %dma_wait3A_57 : memref<1x10000x128xf32, #tpu.memory_space<hbm>> -> memref<10000x128xf32, #tpu.memory_space<hbm>>
        %dma_wait3A_59 = arith.constant 0 : i32
        %dma_wait3A_60 = arith.constant 0 : i32
        %dma_wait3A_61 = tpu.memref_slice %dma_wait3A_58[%dma_wait3A_59, %dma_wait3A_60] : memref<10000x128xf32, #tpu.memory_space<hbm>> -> memref<10000x128xf32, #tpu.memory_space<hbm>>
        %dma_wait3A_62 = tpu.memref_slice %arg9[%dma_wait3A_47] : memref<2x!tpu.dma_semaphore, #tpu.memory_space<semaphore_mem>> -> memref<1x!tpu.dma_semaphore, #tpu.memory_space<semaphore_mem>>
        %dma_wait3A_63 = tpu.memref_squeeze %dma_wait3A_62 : memref<1x!tpu.dma_semaphore, #tpu.memory_space<semaphore_mem>> -> memref<!tpu.dma_semaphore, #tpu.memory_space<semaphore_mem>>
        tpu.wait_indirect_dma semaphore(%dma_wait3A_63 : memref<!tpu.dma_semaphore, #tpu.memory_space<semaphore_mem>>) src(%dma_wait3A_61 : memref<10000x128xf32, #tpu.memory_space<hbm>>) dst(%dma_wait3A_51 : memref<128x128xf32, #tpu.memory_space<vmem>>)
        %mul3A_64 = arith.constant 2 : i32
        %mul3A_65 = arith.muli %mul3A_64, %scan3A_22 : i32
        %sub3A_66 = arith.constant 2 : i32
        %sub3A_67 = arith.subi %mul3A_65, %sub3A_66 : i32
        %add3A_68 = arith.constant 1 : i32
        %add3A_69 = arith.addi %sub3A_67, %add3A_68 : i32
        %run_scoped3A_70 = arith.constant 1 : i32
        %run_scoped3A_71 = arith.constant 0 : i32
        %run_scoped3A_72 = arith.constant 1 : i32
        "tpu.region"() ({
          %run_scoped3A_73 = tpu.sem_alloc : memref<!tpu.dma_semaphore, #tpu.memory_space<semaphore_mem>>
          %dma_start3A = arith.constant 0 : i32
          %dma_start3A_74 = arith.constant 0 : i32
          %dma_start3A_75 = tpu.memref_slice %arg7[%run_scoped3A_70, %dma_start3A, %dma_start3A_74] : memref<2x128x128xf32, #tpu.memory_space<vmem>> -> memref<1x128x128xf32, #tpu.memory_space<vmem>>
          %dma_start3A_76 = tpu.memref_squeeze %dma_start3A_75 : memref<1x128x128xf32, #tpu.memory_space<vmem>> -> memref<128x128xf32, #tpu.memory_space<vmem>>
          %dma_start3A_77 = arith.constant 0 : i32
          %dma_start3A_78 = tpu.memref_slice %arg6[%run_scoped3A_71, %run_scoped3A_72, %add3A_69, %dma_start3A_77] : memref<1x2x40x128xi32, #tpu.memory_space<vmem>> -> memref<1x1x1x128xi32, #tpu.memory_space<vmem>>
          %dma_start3A_79 = tpu.memref_squeeze %dma_start3A_78 : memref<1x1x1x128xi32, #tpu.memory_space<vmem>> -> memref<128xi32, #tpu.memory_space<vmem>>
          %dma_start3A_80 = arith.constant 0 : i32
          %dma_start3A_81 = arith.constant 0 : i32
          %dma_start3A_82 = tpu.memref_slice %arg8[%dma_start3A_80, %dma_start3A_81] : memref<10112x128xf32, #tpu.memory_space<vmem_shared>> -> memref<10112x128xf32, #tpu.memory_space<vmem_shared>>
          tpu.enqueue_indirect_dma source(%dma_start3A_76 : memref<128x128xf32, #tpu.memory_space<vmem>>) target(%dma_start3A_82 : memref<10112x128xf32, #tpu.memory_space<vmem_shared>>) offsets(%dma_start3A_79 : memref<128xi32, #tpu.memory_space<vmem>>) semaphore(%run_scoped3A_73 : memref<!tpu.dma_semaphore, #tpu.memory_space<semaphore_mem>>) {add = true}
          %dma_wait3A_83 = arith.constant 0 : i32
          %dma_wait3A_84 = arith.constant 0 : i32
          %dma_wait3A_85 = tpu.memref_slice %arg7[%run_scoped3A_70, %dma_wait3A_83, %dma_wait3A_84] : memref<2x128x128xf32, #tpu.memory_space<vmem>> -> memref<1x128x128xf32, #tpu.memory_space<vmem>>
          %dma_wait3A_86 = tpu.memref_squeeze %dma_wait3A_85 : memref<1x128x128xf32, #tpu.memory_space<vmem>> -> memref<128x128xf32, #tpu.memory_space<vmem>>
          %dma_wait3A_87 = arith.constant 0 : i32
          %dma_wait3A_88 = tpu.memref_slice %arg6[%run_scoped3A_71, %run_scoped3A_72, %add3A_69, %dma_wait3A_87] : memref<1x2x40x128xi32, #tpu.memory_space<vmem>> -> memref<1x1x1x128xi32, #tpu.memory_space<vmem>>
          %dma_wait3A_89 = tpu.memref_squeeze %dma_wait3A_88 : memref<1x1x1x128xi32, #tpu.memory_space<vmem>> -> memref<128xi32, #tpu.memory_space<vmem>>
          %dma_wait3A_90 = arith.constant 0 : i32
          %dma_wait3A_91 = arith.constant 0 : i32
          %dma_wait3A_92 = tpu.memref_slice %arg8[%dma_wait3A_90, %dma_wait3A_91] : memref<10112x128xf32, #tpu.memory_space<vmem_shared>> -> memref<10112x128xf32, #tpu.memory_space<vmem_shared>>
          tpu.wait_indirect_dma semaphore(%run_scoped3A_73 : memref<!tpu.dma_semaphore, #tpu.memory_space<semaphore_mem>>) src(%dma_wait3A_86 : memref<128x128xf32, #tpu.memory_space<vmem>>) dst(%dma_wait3A_92 : memref<10112x128xf32, #tpu.memory_space<vmem_shared>>)
          tpu.yield
        }) : () -> ()
      } else {
      }
      %lt3A_35 = arith.constant 20 : i32
      %lt3A_36 = arith.cmpi slt, %scan3A_22, %lt3A_35 : i32
      %convert_element_type3A_37 = arith.extui %lt3A_36 : i1 to i32
      %cond3A_38 = arith.constant 0 : i32
      %cond3A_39 = arith.cmpi ne, %convert_element_type3A_37, %cond3A_38 : i32
      scf.if %cond3A_39 {
        %mul3A_41 = arith.constant 2 : i32
        %mul3A_42 = arith.muli %mul3A_41, %scan3A_22 : i32
        %add3A = arith.constant 1 : i32
        %add3A_43 = arith.addi %mul3A_42, %add3A : i32
        %dma_start3A = arith.constant 0 : i32
        %dma_start3A_44 = arith.constant 0 : i32
        %dma_start3A_45 = arith.constant 1 : i32
        %dma_start3A_46 = arith.constant 1 : i32
        %dma_start3A_47 = arith.constant 0 : i32
        %dma_start3A_48 = arith.constant 0 : i32
        %dma_start3A_49 = tpu.memref_slice %arg7[%dma_start3A_45, %dma_start3A_47, %dma_start3A_48] : memref<2x128x128xf32, #tpu.memory_space<vmem>> -> memref<1x128x128xf32, #tpu.memory_space<vmem>>
        %dma_start3A_50 = tpu.memref_squeeze %dma_start3A_49 : memref<1x128x128xf32, #tpu.memory_space<vmem>> -> memref<128x128xf32, #tpu.memory_space<vmem>>
        %dma_start3A_51 = arith.constant 0 : i32
        %dma_start3A_52 = tpu.memref_slice %arg6[%dma_start3A, %dma_start3A_44, %add3A_43, %dma_start3A_51] : memref<1x2x40x128xi32, #tpu.memory_space<vmem>> -> memref<1x1x1x128xi32, #tpu.memory_space<vmem>>
        %dma_start3A_53 = tpu.memref_squeeze %dma_start3A_52 : memref<1x1x1x128xi32, #tpu.memory_space<vmem>> -> memref<128xi32, #tpu.memory_space<vmem>>
        %dma_start3A_54 = arith.constant 0 : i32
        %dma_start3A_55 = arith.constant 0 : i32
        %dma_start3A_56 = tpu.memref_slice %arg2[%arg0, %dma_start3A_54, %dma_start3A_55] : memref<2x10000x128xf32, #tpu.memory_space<hbm>> -> memref<1x10000x128xf32, #tpu.memory_space<hbm>>
        %dma_start3A_57 = tpu.memref_squeeze %dma_start3A_56 : memref<1x10000x128xf32, #tpu.memory_space<hbm>> -> memref<10000x128xf32, #tpu.memory_space<hbm>>
        %dma_start3A_58 = arith.constant 0 : i32
        %dma_start3A_59 = arith.constant 0 : i32
        %dma_start3A_60 = tpu.memref_slice %dma_start3A_57[%dma_start3A_58, %dma_start3A_59] : memref<10000x128xf32, #tpu.memory_space<hbm>> -> memref<10000x128xf32, #tpu.memory_space<hbm>>
        %dma_start3A_61 = tpu.memref_slice %arg9[%dma_start3A_46] : memref<2x!tpu.dma_semaphore, #tpu.memory_space<semaphore_mem>> -> memref<1x!tpu.dma_semaphore, #tpu.memory_space<semaphore_mem>>
        %dma_start3A_62 = tpu.memref_squeeze %dma_start3A_61 : memref<1x!tpu.dma_semaphore, #tpu.memory_space<semaphore_mem>> -> memref<!tpu.dma_semaphore, #tpu.memory_space<semaphore_mem>>
        tpu.enqueue_indirect_dma source(%dma_start3A_60 : memref<10000x128xf32, #tpu.memory_space<hbm>>) target(%dma_start3A_50 : memref<128x128xf32, #tpu.memory_space<vmem>>) offsets(%dma_start3A_53 : memref<128xi32, #tpu.memory_space<vmem>>) semaphore(%dma_start3A_62 : memref<!tpu.dma_semaphore, #tpu.memory_space<semaphore_mem>>)
      } else {
      }
      %scan3A_40 = arith.constant 0 : i32
      scf.yield %scan3A_40 : i32
    }
    %scan3A_7 = arith.constant 21 : i32
    %run_scoped3A_8 = arith.constant 1 : i32
    %run_scoped3A_9 = arith.constant 0 : i32
    "tpu.region"() ({
      %run_scoped3A_22 = tpu.sem_alloc : memref<!tpu.dma_semaphore, #tpu.memory_space<semaphore_mem>>
      %dma_start3A = arith.constant 0 : i32
      %dma_start3A_23 = arith.constant 0 : i32
      %dma_start3A_24 = arith.constant 0 : i32
      %dma_start3A_25 = tpu.memref_slice %arg6[%run_scoped3A_9, %dma_start3A, %dma_start3A_23, %dma_start3A_24] : memref<1x2x40x128xi32, #tpu.memory_space<vmem>> -> memref<1x2x40x128xi32, #tpu.memory_space<vmem>>
      %dma_start3A_26 = tpu.memref_squeeze %dma_start3A_25 : memref<1x2x40x128xi32, #tpu.memory_space<vmem>> -> memref<2x40x128xi32, #tpu.memory_space<vmem>>
      %dma_start3A_27 = arith.constant 0 : i32
      %dma_start3A_28 = arith.constant 0 : i32
      %dma_start3A_29 = arith.constant 0 : i32
      %dma_start3A_30 = tpu.memref_slice %arg3[%arg1, %run_scoped3A_8, %dma_start3A_27, %dma_start3A_28, %dma_start3A_29] : memref<16x2x2x40x128xi32, #tpu.memory_space<hbm>> -> memref<1x1x2x40x128xi32, #tpu.memory_space<hbm>>
      %dma_start3A_31 = tpu.memref_squeeze %dma_start3A_30 : memref<1x1x2x40x128xi32, #tpu.memory_space<hbm>> -> memref<2x40x128xi32, #tpu.memory_space<hbm>>
      %dma_start3A_32 = arith.constant 0 : i32
      %dma_start3A_33 = arith.constant 0 : i32
      %dma_start3A_34 = arith.constant 0 : i32
      %dma_start3A_35 = tpu.memref_slice %arg6[%run_scoped3A_9, %dma_start3A_32, %dma_start3A_33, %dma_start3A_34] : memref<1x2x40x128xi32, #tpu.memory_space<vmem>> -> memref<1x2x40x128xi32, #tpu.memory_space<vmem>>
      %dma_start3A_36 = tpu.memref_squeeze %dma_start3A_35 : memref<1x2x40x128xi32, #tpu.memory_space<vmem>> -> memref<2x40x128xi32, #tpu.memory_space<vmem>>
      %dma_start3A_37 = arith.constant 0 : i32
      %dma_start3A_38 = arith.constant 0 : i32
      %dma_start3A_39 = arith.constant 0 : i32
      %dma_start3A_40 = tpu.memref_slice %arg3[%arg1, %run_scoped3A_8, %dma_start3A_37, %dma_start3A_38, %dma_start3A_39] : memref<16x2x2x40x128xi32, #tpu.memory_space<hbm>> -> memref<1x1x2x40x128xi32, #tpu.memory_space<hbm>>
      %dma_start3A_41 = tpu.memref_squeeze %dma_start3A_40 : memref<1x1x2x40x128xi32, #tpu.memory_space<hbm>> -> memref<2x40x128xi32, #tpu.memory_space<hbm>>
      tpu.enqueue_dma source(%dma_start3A_41 : memref<2x40x128xi32, #tpu.memory_space<hbm>>) target(%dma_start3A_36 : memref<2x40x128xi32, #tpu.memory_space<vmem>>) target_semaphore(%run_scoped3A_22 : memref<!tpu.dma_semaphore, #tpu.memory_space<semaphore_mem>>)
      %dma_wait3A = arith.constant 0 : i32
      %dma_wait3A_42 = arith.constant 0 : i32
      %dma_wait3A_43 = arith.constant 0 : i32
      %dma_wait3A_44 = tpu.memref_slice %arg6[%run_scoped3A_9, %dma_wait3A, %dma_wait3A_42, %dma_wait3A_43] : memref<1x2x40x128xi32, #tpu.memory_space<vmem>> -> memref<1x2x40x128xi32, #tpu.memory_space<vmem>>
      %dma_wait3A_45 = tpu.memref_squeeze %dma_wait3A_44 : memref<1x2x40x128xi32, #tpu.memory_space<vmem>> -> memref<2x40x128xi32, #tpu.memory_space<vmem>>
      %dma_wait3A_46 = arith.constant 0 : i32
      %dma_wait3A_47 = arith.constant 0 : i32
      %dma_wait3A_48 = arith.constant 0 : i32
      %dma_wait3A_49 = tpu.memref_slice %arg3[%arg1, %run_scoped3A_8, %dma_wait3A_46, %dma_wait3A_47, %dma_wait3A_48] : memref<16x2x2x40x128xi32, #tpu.memory_space<hbm>> -> memref<1x1x2x40x128xi32, #tpu.memory_space<hbm>>
      %dma_wait3A_50 = tpu.memref_squeeze %dma_wait3A_49 : memref<1x1x2x40x128xi32, #tpu.memory_space<hbm>> -> memref<2x40x128xi32, #tpu.memory_space<hbm>>
      %dma_wait3A_51 = arith.constant 0 : i32
      %dma_wait3A_52 = arith.constant 0 : i32
      %dma_wait3A_53 = arith.constant 0 : i32
      %dma_wait3A_54 = tpu.memref_slice %arg6[%run_scoped3A_9, %dma_wait3A_51, %dma_wait3A_52, %dma_wait3A_53] : memref<1x2x40x128xi32, #tpu.memory_space<vmem>> -> memref<1x2x40x128xi32, #tpu.memory_space<vmem>>
      %dma_wait3A_55 = tpu.memref_squeeze %dma_wait3A_54 : memref<1x2x40x128xi32, #tpu.memory_space<vmem>> -> memref<2x40x128xi32, #tpu.memory_space<vmem>>
      %dma_wait3A_56 = arith.constant 0 : i32
      %dma_wait3A_57 = arith.constant 0 : i32
      %dma_wait3A_58 = arith.constant 0 : i32
      %dma_wait3A_59 = tpu.memref_slice %arg3[%arg1, %run_scoped3A_8, %dma_wait3A_56, %dma_wait3A_57, %dma_wait3A_58] : memref<16x2x2x40x128xi32, #tpu.memory_space<hbm>> -> memref<1x1x2x40x128xi32, #tpu.memory_space<hbm>>
      %dma_wait3A_60 = tpu.memref_squeeze %dma_wait3A_59 : memref<1x1x2x40x128xi32, #tpu.memory_space<hbm>> -> memref<2x40x128xi32, #tpu.memory_space<hbm>>
      tpu.wait_dma2 semaphore(%run_scoped3A_22 : memref<!tpu.dma_semaphore, #tpu.memory_space<semaphore_mem>>) src(%dma_wait3A_60 : memref<2x40x128xi32, #tpu.memory_space<hbm>>) dst(%dma_wait3A_55 : memref<2x40x128xi32, #tpu.memory_space<vmem>>)
      tpu.yield
    }) : () -> ()
    %scan3A_10 = arith.constant 0 : i32
    %scan3A_11 = arith.constant 0 : i32
    %scan3A_12 = arith.constant 21 : i32
    %scan3A_13 = arith.addi %scan3A_11, %scan3A_12 : i32
    %scan3A_14 = arith.constant 1 : i32
    %scan3A_15 = scf.for %scan3A_22 = %scan3A_11 to %scan3A_13 step %scan3A_14 iter_args(%scan3A_23 = %scan3A_10) -> (i32)  : i32 {
      %ge3A = arith.constant 1 : i32
      %ge3A_24 = arith.cmpi sge, %scan3A_22, %ge3A : i32
      %convert_element_type3A = arith.extui %ge3A_24 : i1 to i32
      %cond3A = arith.constant 0 : i32
      %cond3A_25 = arith.cmpi ne, %convert_element_type3A, %cond3A : i32
      scf.if %cond3A_25 {
        %mul3A_41 = arith.constant 2 : i32
        %mul3A_42 = arith.muli %mul3A_41, %scan3A_22 : i32
        %sub3A = arith.constant 2 : i32
        %sub3A_43 = arith.subi %mul3A_42, %sub3A : i32
        %add3A = arith.constant 0 : i32
        %add3A_44 = arith.addi %sub3A_43, %add3A : i32
        %dma_wait3A = arith.constant 0 : i32
        %dma_wait3A_45 = arith.constant 0 : i32
        %dma_wait3A_46 = arith.constant 0 : i32
        %dma_wait3A_47 = arith.constant 0 : i32
        %dma_wait3A_48 = arith.constant 0 : i32
        %dma_wait3A_49 = arith.constant 0 : i32
        %dma_wait3A_50 = tpu.memref_slice %arg7[%dma_wait3A_46, %dma_wait3A_48, %dma_wait3A_49] : memref<2x128x128xf32, #tpu.memory_space<vmem>> -> memref<1x128x128xf32, #tpu.memory_space<vmem>>
        %dma_wait3A_51 = tpu.memref_squeeze %dma_wait3A_50 : memref<1x128x128xf32, #tpu.memory_space<vmem>> -> memref<128x128xf32, #tpu.memory_space<vmem>>
        %dma_wait3A_52 = arith.constant 0 : i32
        %dma_wait3A_53 = tpu.memref_slice %arg6[%dma_wait3A, %dma_wait3A_45, %add3A_44, %dma_wait3A_52] : memref<1x2x40x128xi32, #tpu.memory_space<vmem>> -> memref<1x1x1x128xi32, #tpu.memory_space<vmem>>
        %dma_wait3A_54 = tpu.memref_squeeze %dma_wait3A_53 : memref<1x1x1x128xi32, #tpu.memory_space<vmem>> -> memref<128xi32, #tpu.memory_space<vmem>>
        %dma_wait3A_55 = arith.constant 0 : i32
        %dma_wait3A_56 = arith.constant 0 : i32
        %dma_wait3A_57 = tpu.memref_slice %arg2[%arg0, %dma_wait3A_55, %dma_wait3A_56] : memref<2x10000x128xf32, #tpu.memory_space<hbm>> -> memref<1x10000x128xf32, #tpu.memory_space<hbm>>
        %dma_wait3A_58 = tpu.memref_squeeze %dma_wait3A_57 : memref<1x10000x128xf32, #tpu.memory_space<hbm>> -> memref<10000x128xf32, #tpu.memory_space<hbm>>
        %dma_wait3A_59 = arith.constant 0 : i32
        %dma_wait3A_60 = arith.constant 0 : i32
        %dma_wait3A_61 = tpu.memref_slice %dma_wait3A_58[%dma_wait3A_59, %dma_wait3A_60] : memref<10000x128xf32, #tpu.memory_space<hbm>> -> memref<10000x128xf32, #tpu.memory_space<hbm>>
        %dma_wait3A_62 = tpu.memref_slice %arg9[%dma_wait3A_47] : memref<2x!tpu.dma_semaphore, #tpu.memory_space<semaphore_mem>> -> memref<1x!tpu.dma_semaphore, #tpu.memory_space<semaphore_mem>>
        %dma_wait3A_63 = tpu.memref_squeeze %dma_wait3A_62 : memref<1x!tpu.dma_semaphore, #tpu.memory_space<semaphore_mem>> -> memref<!tpu.dma_semaphore, #tpu.memory_space<semaphore_mem>>
        tpu.wait_indirect_dma semaphore(%dma_wait3A_63 : memref<!tpu.dma_semaphore, #tpu.memory_space<semaphore_mem>>) src(%dma_wait3A_61 : memref<10000x128xf32, #tpu.memory_space<hbm>>) dst(%dma_wait3A_51 : memref<128x128xf32, #tpu.memory_space<vmem>>)
        %mul3A_64 = arith.constant 2 : i32
        %mul3A_65 = arith.muli %mul3A_64, %scan3A_22 : i32
        %sub3A_66 = arith.constant 2 : i32
        %sub3A_67 = arith.subi %mul3A_65, %sub3A_66 : i32
        %add3A_68 = arith.constant 0 : i32
        %add3A_69 = arith.addi %sub3A_67, %add3A_68 : i32
        %run_scoped3A_70 = arith.constant 0 : i32
        %run_scoped3A_71 = arith.constant 0 : i32
        %run_scoped3A_72 = arith.constant 1 : i32
        "tpu.region"() ({
          %run_scoped3A_73 = tpu.sem_alloc : memref<!tpu.dma_semaphore, #tpu.memory_space<semaphore_mem>>
          %dma_start3A = arith.constant 0 : i32
          %dma_start3A_74 = arith.constant 0 : i32
          %dma_start3A_75 = tpu.memref_slice %arg7[%run_scoped3A_70, %dma_start3A, %dma_start3A_74] : memref<2x128x128xf32, #tpu.memory_space<vmem>> -> memref<1x128x128xf32, #tpu.memory_space<vmem>>
          %dma_start3A_76 = tpu.memref_squeeze %dma_start3A_75 : memref<1x128x128xf32, #tpu.memory_space<vmem>> -> memref<128x128xf32, #tpu.memory_space<vmem>>
          %dma_start3A_77 = arith.constant 0 : i32
          %dma_start3A_78 = tpu.memref_slice %arg6[%run_scoped3A_71, %run_scoped3A_72, %add3A_69, %dma_start3A_77] : memref<1x2x40x128xi32, #tpu.memory_space<vmem>> -> memref<1x1x1x128xi32, #tpu.memory_space<vmem>>
          %dma_start3A_79 = tpu.memref_squeeze %dma_start3A_78 : memref<1x1x1x128xi32, #tpu.memory_space<vmem>> -> memref<128xi32, #tpu.memory_space<vmem>>
          %dma_start3A_80 = arith.constant 0 : i32
          %dma_start3A_81 = arith.constant 0 : i32
          %dma_start3A_82 = tpu.memref_slice %arg8[%dma_start3A_80, %dma_start3A_81] : memref<10112x128xf32, #tpu.memory_space<vmem_shared>> -> memref<10112x128xf32, #tpu.memory_space<vmem_shared>>
          tpu.enqueue_indirect_dma source(%dma_start3A_76 : memref<128x128xf32, #tpu.memory_space<vmem>>) target(%dma_start3A_82 : memref<10112x128xf32, #tpu.memory_space<vmem_shared>>) offsets(%dma_start3A_79 : memref<128xi32, #tpu.memory_space<vmem>>) semaphore(%run_scoped3A_73 : memref<!tpu.dma_semaphore, #tpu.memory_space<semaphore_mem>>) {add = true}
          %dma_wait3A_83 = arith.constant 0 : i32
          %dma_wait3A_84 = arith.constant 0 : i32
          %dma_wait3A_85 = tpu.memref_slice %arg7[%run_scoped3A_70, %dma_wait3A_83, %dma_wait3A_84] : memref<2x128x128xf32, #tpu.memory_space<vmem>> -> memref<1x128x128xf32, #tpu.memory_space<vmem>>
          %dma_wait3A_86 = tpu.memref_squeeze %dma_wait3A_85 : memref<1x128x128xf32, #tpu.memory_space<vmem>> -> memref<128x128xf32, #tpu.memory_space<vmem>>
          %dma_wait3A_87 = arith.constant 0 : i32
          %dma_wait3A_88 = tpu.memref_slice %arg6[%run_scoped3A_71, %run_scoped3A_72, %add3A_69, %dma_wait3A_87] : memref<1x2x40x128xi32, #tpu.memory_space<vmem>> -> memref<1x1x1x128xi32, #tpu.memory_space<vmem>>
          %dma_wait3A_89 = tpu.memref_squeeze %dma_wait3A_88 : memref<1x1x1x128xi32, #tpu.memory_space<vmem>> -> memref<128xi32, #tpu.memory_space<vmem>>
          %dma_wait3A_90 = arith.constant 0 : i32
          %dma_wait3A_91 = arith.constant 0 : i32
          %dma_wait3A_92 = tpu.memref_slice %arg8[%dma_wait3A_90, %dma_wait3A_91] : memref<10112x128xf32, #tpu.memory_space<vmem_shared>> -> memref<10112x128xf32, #tpu.memory_space<vmem_shared>>
          tpu.wait_indirect_dma semaphore(%run_scoped3A_73 : memref<!tpu.dma_semaphore, #tpu.memory_space<semaphore_mem>>) src(%dma_wait3A_86 : memref<128x128xf32, #tpu.memory_space<vmem>>) dst(%dma_wait3A_92 : memref<10112x128xf32, #tpu.memory_space<vmem_shared>>)
          tpu.yield
        }) : () -> ()
      } else {
      }
      %lt3A = arith.constant 20 : i32
      %lt3A_26 = arith.cmpi slt, %scan3A_22, %lt3A : i32
      %convert_element_type3A_27 = arith.extui %lt3A_26 : i1 to i32
      %cond3A_28 = arith.constant 0 : i32
      %cond3A_29 = arith.cmpi ne, %convert_element_type3A_27, %cond3A_28 : i32
      scf.if %cond3A_29 {
        %mul3A_41 = arith.constant 2 : i32
        %mul3A_42 = arith.muli %mul3A_41, %scan3A_22 : i32
        %add3A = arith.constant 0 : i32
        %add3A_43 = arith.addi %mul3A_42, %add3A : i32
        %dma_start3A = arith.constant 0 : i32
        %dma_start3A_44 = arith.constant 0 : i32
        %dma_start3A_45 = arith.constant 0 : i32
        %dma_start3A_46 = arith.constant 0 : i32
        %dma_start3A_47 = arith.constant 0 : i32
        %dma_start3A_48 = arith.constant 0 : i32
        %dma_start3A_49 = tpu.memref_slice %arg7[%dma_start3A_45, %dma_start3A_47, %dma_start3A_48] : memref<2x128x128xf32, #tpu.memory_space<vmem>> -> memref<1x128x128xf32, #tpu.memory_space<vmem>>
        %dma_start3A_50 = tpu.memref_squeeze %dma_start3A_49 : memref<1x128x128xf32, #tpu.memory_space<vmem>> -> memref<128x128xf32, #tpu.memory_space<vmem>>
        %dma_start3A_51 = arith.constant 0 : i32
        %dma_start3A_52 = tpu.memref_slice %arg6[%dma_start3A, %dma_start3A_44, %add3A_43, %dma_start3A_51] : memref<1x2x40x128xi32, #tpu.memory_space<vmem>> -> memref<1x1x1x128xi32, #tpu.memory_space<vmem>>
        %dma_start3A_53 = tpu.memref_squeeze %dma_start3A_52 : memref<1x1x1x128xi32, #tpu.memory_space<vmem>> -> memref<128xi32, #tpu.memory_space<vmem>>
        %dma_start3A_54 = arith.constant 0 : i32
        %dma_start3A_55 = arith.constant 0 : i32
        %dma_start3A_56 = tpu.memref_slice %arg2[%arg0, %dma_start3A_54, %dma_start3A_55] : memref<2x10000x128xf32, #tpu.memory_space<hbm>> -> memref<1x10000x128xf32, #tpu.memory_space<hbm>>
        %dma_start3A_57 = tpu.memref_squeeze %dma_start3A_56 : memref<1x10000x128xf32, #tpu.memory_space<hbm>> -> memref<10000x128xf32, #tpu.memory_space<hbm>>
        %dma_start3A_58 = arith.constant 0 : i32
        %dma_start3A_59 = arith.constant 0 : i32
        %dma_start3A_60 = tpu.memref_slice %dma_start3A_57[%dma_start3A_58, %dma_start3A_59] : memref<10000x128xf32, #tpu.memory_space<hbm>> -> memref<10000x128xf32, #tpu.memory_space<hbm>>
        %dma_start3A_61 = tpu.memref_slice %arg9[%dma_start3A_46] : memref<2x!tpu.dma_semaphore, #tpu.memory_space<semaphore_mem>> -> memref<1x!tpu.dma_semaphore, #tpu.memory_space<semaphore_mem>>
        %dma_start3A_62 = tpu.memref_squeeze %dma_start3A_61 : memref<1x!tpu.dma_semaphore, #tpu.memory_space<semaphore_mem>> -> memref<!tpu.dma_semaphore, #tpu.memory_space<semaphore_mem>>
        tpu.enqueue_indirect_dma source(%dma_start3A_60 : memref<10000x128xf32, #tpu.memory_space<hbm>>) target(%dma_start3A_50 : memref<128x128xf32, #tpu.memory_space<vmem>>) offsets(%dma_start3A_53 : memref<128xi32, #tpu.memory_space<vmem>>) semaphore(%dma_start3A_62 : memref<!tpu.dma_semaphore, #tpu.memory_space<semaphore_mem>>)
      } else {
      }
      %ge3A_30 = arith.constant 1 : i32
      %ge3A_31 = arith.cmpi sge, %scan3A_22, %ge3A_30 : i32
      %convert_element_type3A_32 = arith.extui %ge3A_31 : i1 to i32
      %cond3A_33 = arith.constant 0 : i32
      %cond3A_34 = arith.cmpi ne, %convert_element_type3A_32, %cond3A_33 : i32
      scf.if %cond3A_34 {
        %mul3A_41 = arith.constant 2 : i32
        %mul3A_42 = arith.muli %mul3A_41, %scan3A_22 : i32
        %sub3A = arith.constant 2 : i32
        %sub3A_43 = arith.subi %mul3A_42, %sub3A : i32
        %add3A = arith.constant 1 : i32
        %add3A_44 = arith.addi %sub3A_43, %add3A : i32
        %dma_wait3A = arith.constant 0 : i32
        %dma_wait3A_45 = arith.constant 0 : i32
        %dma_wait3A_46 = arith.constant 1 : i32
        %dma_wait3A_47 = arith.constant 1 : i32
        %dma_wait3A_48 = arith.constant 0 : i32
        %dma_wait3A_49 = arith.constant 0 : i32
        %dma_wait3A_50 = tpu.memref_slice %arg7[%dma_wait3A_46, %dma_wait3A_48, %dma_wait3A_49] : memref<2x128x128xf32, #tpu.memory_space<vmem>> -> memref<1x128x128xf32, #tpu.memory_space<vmem>>
        %dma_wait3A_51 = tpu.memref_squeeze %dma_wait3A_50 : memref<1x128x128xf32, #tpu.memory_space<vmem>> -> memref<128x128xf32, #tpu.memory_space<vmem>>
        %dma_wait3A_52 = arith.constant 0 : i32
        %dma_wait3A_53 = tpu.memref_slice %arg6[%dma_wait3A, %dma_wait3A_45, %add3A_44, %dma_wait3A_52] : memref<1x2x40x128xi32, #tpu.memory_space<vmem>> -> memref<1x1x1x128xi32, #tpu.memory_space<vmem>>
        %dma_wait3A_54 = tpu.memref_squeeze %dma_wait3A_53 : memref<1x1x1x128xi32, #tpu.memory_space<vmem>> -> memref<128xi32, #tpu.memory_space<vmem>>
        %dma_wait3A_55 = arith.constant 0 : i32
        %dma_wait3A_56 = arith.constant 0 : i32
        %dma_wait3A_57 = tpu.memref_slice %arg2[%arg0, %dma_wait3A_55, %dma_wait3A_56] : memref<2x10000x128xf32, #tpu.memory_space<hbm>> -> memref<1x10000x128xf32, #tpu.memory_space<hbm>>
        %dma_wait3A_58 = tpu.memref_squeeze %dma_wait3A_57 : memref<1x10000x128xf32, #tpu.memory_space<hbm>> -> memref<10000x128xf32, #tpu.memory_space<hbm>>
        %dma_wait3A_59 = arith.constant 0 : i32
        %dma_wait3A_60 = arith.constant 0 : i32
        %dma_wait3A_61 = tpu.memref_slice %dma_wait3A_58[%dma_wait3A_59, %dma_wait3A_60] : memref<10000x128xf32, #tpu.memory_space<hbm>> -> memref<10000x128xf32, #tpu.memory_space<hbm>>
        %dma_wait3A_62 = tpu.memref_slice %arg9[%dma_wait3A_47] : memref<2x!tpu.dma_semaphore, #tpu.memory_space<semaphore_mem>> -> memref<1x!tpu.dma_semaphore, #tpu.memory_space<semaphore_mem>>
        %dma_wait3A_63 = tpu.memref_squeeze %dma_wait3A_62 : memref<1x!tpu.dma_semaphore, #tpu.memory_space<semaphore_mem>> -> memref<!tpu.dma_semaphore, #tpu.memory_space<semaphore_mem>>
        tpu.wait_indirect_dma semaphore(%dma_wait3A_63 : memref<!tpu.dma_semaphore, #tpu.memory_space<semaphore_mem>>) src(%dma_wait3A_61 : memref<10000x128xf32, #tpu.memory_space<hbm>>) dst(%dma_wait3A_51 : memref<128x128xf32, #tpu.memory_space<vmem>>)
        %mul3A_64 = arith.constant 2 : i32
        %mul3A_65 = arith.muli %mul3A_64, %scan3A_22 : i32
        %sub3A_66 = arith.constant 2 : i32
        %sub3A_67 = arith.subi %mul3A_65, %sub3A_66 : i32
        %add3A_68 = arith.constant 1 : i32
        %add3A_69 = arith.addi %sub3A_67, %add3A_68 : i32
        %run_scoped3A_70 = arith.constant 1 : i32
        %run_scoped3A_71 = arith.constant 0 : i32
        %run_scoped3A_72 = arith.constant 1 : i32
        "tpu.region"() ({
          %run_scoped3A_73 = tpu.sem_alloc : memref<!tpu.dma_semaphore, #tpu.memory_space<semaphore_mem>>
          %dma_start3A = arith.constant 0 : i32
          %dma_start3A_74 = arith.constant 0 : i32
          %dma_start3A_75 = tpu.memref_slice %arg7[%run_scoped3A_70, %dma_start3A, %dma_start3A_74] : memref<2x128x128xf32, #tpu.memory_space<vmem>> -> memref<1x128x128xf32, #tpu.memory_space<vmem>>
          %dma_start3A_76 = tpu.memref_squeeze %dma_start3A_75 : memref<1x128x128xf32, #tpu.memory_space<vmem>> -> memref<128x128xf32, #tpu.memory_space<vmem>>
          %dma_start3A_77 = arith.constant 0 : i32
          %dma_start3A_78 = tpu.memref_slice %arg6[%run_scoped3A_71, %run_scoped3A_72, %add3A_69, %dma_start3A_77] : memref<1x2x40x128xi32, #tpu.memory_space<vmem>> -> memref<1x1x1x128xi32, #tpu.memory_space<vmem>>
          %dma_start3A_79 = tpu.memref_squeeze %dma_start3A_78 : memref<1x1x1x128xi32, #tpu.memory_space<vmem>> -> memref<128xi32, #tpu.memory_space<vmem>>
          %dma_start3A_80 = arith.constant 0 : i32
          %dma_start3A_81 = arith.constant 0 : i32
          %dma_start3A_82 = tpu.memref_slice %arg8[%dma_start3A_80, %dma_start3A_81] : memref<10112x128xf32, #tpu.memory_space<vmem_shared>> -> memref<10112x128xf32, #tpu.memory_space<vmem_shared>>
          tpu.enqueue_indirect_dma source(%dma_start3A_76 : memref<128x128xf32, #tpu.memory_space<vmem>>) target(%dma_start3A_82 : memref<10112x128xf32, #tpu.memory_space<vmem_shared>>) offsets(%dma_start3A_79 : memref<128xi32, #tpu.memory_space<vmem>>) semaphore(%run_scoped3A_73 : memref<!tpu.dma_semaphore, #tpu.memory_space<semaphore_mem>>) {add = true}
          %dma_wait3A_83 = arith.constant 0 : i32
          %dma_wait3A_84 = arith.constant 0 : i32
          %dma_wait3A_85 = tpu.memref_slice %arg7[%run_scoped3A_70, %dma_wait3A_83, %dma_wait3A_84] : memref<2x128x128xf32, #tpu.memory_space<vmem>> -> memref<1x128x128xf32, #tpu.memory_space<vmem>>
          %dma_wait3A_86 = tpu.memref_squeeze %dma_wait3A_85 : memref<1x128x128xf32, #tpu.memory_space<vmem>> -> memref<128x128xf32, #tpu.memory_space<vmem>>
          %dma_wait3A_87 = arith.constant 0 : i32
          %dma_wait3A_88 = tpu.memref_slice %arg6[%run_scoped3A_71, %run_scoped3A_72, %add3A_69, %dma_wait3A_87] : memref<1x2x40x128xi32, #tpu.memory_space<vmem>> -> memref<1x1x1x128xi32, #tpu.memory_space<vmem>>
          %dma_wait3A_89 = tpu.memref_squeeze %dma_wait3A_88 : memref<1x1x1x128xi32, #tpu.memory_space<vmem>> -> memref<128xi32, #tpu.memory_space<vmem>>
          %dma_wait3A_90 = arith.constant 0 : i32
          %dma_wait3A_91 = arith.constant 0 : i32
          %dma_wait3A_92 = tpu.memref_slice %arg8[%dma_wait3A_90, %dma_wait3A_91] : memref<10112x128xf32, #tpu.memory_space<vmem_shared>> -> memref<10112x128xf32, #tpu.memory_space<vmem_shared>>
          tpu.wait_indirect_dma semaphore(%run_scoped3A_73 : memref<!tpu.dma_semaphore, #tpu.memory_space<semaphore_mem>>) src(%dma_wait3A_86 : memref<128x128xf32, #tpu.memory_space<vmem>>) dst(%dma_wait3A_92 : memref<10112x128xf32, #tpu.memory_space<vmem_shared>>)
          tpu.yield
        }) : () -> ()
      } else {
      }
      %lt3A_35 = arith.constant 20 : i32
      %lt3A_36 = arith.cmpi slt, %scan3A_22, %lt3A_35 : i32
      %convert_element_type3A_37 = arith.extui %lt3A_36 : i1 to i32
      %cond3A_38 = arith.constant 0 : i32
      %cond3A_39 = arith.cmpi ne, %convert_element_type3A_37, %cond3A_38 : i32
      scf.if %cond3A_39 {
        %mul3A_41 = arith.constant 2 : i32
        %mul3A_42 = arith.muli %mul3A_41, %scan3A_22 : i32
        %add3A = arith.constant 1 : i32
        %add3A_43 = arith.addi %mul3A_42, %add3A : i32
        %dma_start3A = arith.constant 0 : i32
        %dma_start3A_44 = arith.constant 0 : i32
        %dma_start3A_45 = arith.constant 1 : i32
        %dma_start3A_46 = arith.constant 1 : i32
        %dma_start3A_47 = arith.constant 0 : i32
        %dma_start3A_48 = arith.constant 0 : i32
        %dma_start3A_49 = tpu.memref_slice %arg7[%dma_start3A_45, %dma_start3A_47, %dma_start3A_48] : memref<2x128x128xf32, #tpu.memory_space<vmem>> -> memref<1x128x128xf32, #tpu.memory_space<vmem>>
        %dma_start3A_50 = tpu.memref_squeeze %dma_start3A_49 : memref<1x128x128xf32, #tpu.memory_space<vmem>> -> memref<128x128xf32, #tpu.memory_space<vmem>>
        %dma_start3A_51 = arith.constant 0 : i32
        %dma_start3A_52 = tpu.memref_slice %arg6[%dma_start3A, %dma_start3A_44, %add3A_43, %dma_start3A_51] : memref<1x2x40x128xi32, #tpu.memory_space<vmem>> -> memref<1x1x1x128xi32, #tpu.memory_space<vmem>>
        %dma_start3A_53 = tpu.memref_squeeze %dma_start3A_52 : memref<1x1x1x128xi32, #tpu.memory_space<vmem>> -> memref<128xi32, #tpu.memory_space<vmem>>
        %dma_start3A_54 = arith.constant 0 : i32
        %dma_start3A_55 = arith.constant 0 : i32
        %dma_start3A_56 = tpu.memref_slice %arg2[%arg0, %dma_start3A_54, %dma_start3A_55] : memref<2x10000x128xf32, #tpu.memory_space<hbm>> -> memref<1x10000x128xf32, #tpu.memory_space<hbm>>
        %dma_start3A_57 = tpu.memref_squeeze %dma_start3A_56 : memref<1x10000x128xf32, #tpu.memory_space<hbm>> -> memref<10000x128xf32, #tpu.memory_space<hbm>>
        %dma_start3A_58 = arith.constant 0 : i32
        %dma_start3A_59 = arith.constant 0 : i32
        %dma_start3A_60 = tpu.memref_slice %dma_start3A_57[%dma_start3A_58, %dma_start3A_59] : memref<10000x128xf32, #tpu.memory_space<hbm>> -> memref<10000x128xf32, #tpu.memory_space<hbm>>
        %dma_start3A_61 = tpu.memref_slice %arg9[%dma_start3A_46] : memref<2x!tpu.dma_semaphore, #tpu.memory_space<semaphore_mem>> -> memref<1x!tpu.dma_semaphore, #tpu.memory_space<semaphore_mem>>
        %dma_start3A_62 = tpu.memref_squeeze %dma_start3A_61 : memref<1x!tpu.dma_semaphore, #tpu.memory_space<semaphore_mem>> -> memref<!tpu.dma_semaphore, #tpu.memory_space<semaphore_mem>>
        tpu.enqueue_indirect_dma source(%dma_start3A_60 : memref<10000x128xf32, #tpu.memory_space<hbm>>) target(%dma_start3A_50 : memref<128x128xf32, #tpu.memory_space<vmem>>) offsets(%dma_start3A_53 : memref<128xi32, #tpu.memory_space<vmem>>) semaphore(%dma_start3A_62 : memref<!tpu.dma_semaphore, #tpu.memory_space<semaphore_mem>>)
      } else {
      }
      %scan3A_40 = arith.constant 0 : i32
      scf.yield %scan3A_40 : i32
    }
    %scan3A_16 = arith.constant 21 : i32
    %barrier3A_17 = arith.constant 0 : index
    tpu.barrier barrier_id(%barrier3A_17)
    %mul3A_18 = arith.constant 632 : i32
    %mul3A_19 = arith.muli %arg1, %mul3A_18 : i32
    %mul3A_20 = arith.constant 632 : i32
    %mul3A_21 = arith.muli %arg1, %mul3A_20 : i32
    "tpu.region"() ({
      %run_scoped3A_22 = tpu.sem_alloc : memref<!tpu.dma_semaphore, #tpu.memory_space<semaphore_mem>>
      %dma_start3A = arith.constant 0 : i32
      %dma_start3A_23 = tpu.memref_slice %arg5[%arg0, %mul3A_21, %dma_start3A] : memref<2x10112x128xf32, #tpu.memory_space<hbm>> -> memref<1x632x128xf32, #tpu.memory_space<hbm>>
      %dma_start3A_24 = tpu.memref_squeeze %dma_start3A_23 : memref<1x632x128xf32, #tpu.memory_space<hbm>> -> memref<632x128xf32, #tpu.memory_space<hbm>>
      %dma_start3A_25 = arith.constant 0 : i32
      %dma_start3A_26 = tpu.memref_slice %arg8[%mul3A_19, %dma_start3A_25] : memref<10112x128xf32, #tpu.memory_space<vmem_shared>> -> memref<632x128xf32, #tpu.memory_space<vmem_shared>>
      tpu.enqueue_dma source(%dma_start3A_26 : memref<632x128xf32, #tpu.memory_space<vmem_shared>>) target(%dma_start3A_24 : memref<632x128xf32, #tpu.memory_space<hbm>>) target_semaphore(%run_scoped3A_22 : memref<!tpu.dma_semaphore, #tpu.memory_space<semaphore_mem>>)
      %dma_wait3A = arith.constant 0 : i32
      %dma_wait3A_27 = tpu.memref_slice %arg5[%arg0, %mul3A_21, %dma_wait3A] : memref<2x10112x128xf32, #tpu.memory_space<hbm>> -> memref<1x632x128xf32, #tpu.memory_space<hbm>>
      %dma_wait3A_28 = tpu.memref_squeeze %dma_wait3A_27 : memref<1x632x128xf32, #tpu.memory_space<hbm>> -> memref<632x128xf32, #tpu.memory_space<hbm>>
      %dma_wait3A_29 = arith.constant 0 : i32
      %dma_wait3A_30 = tpu.memref_slice %arg8[%mul3A_19, %dma_wait3A_29] : memref<10112x128xf32, #tpu.memory_space<vmem_shared>> -> memref<632x128xf32, #tpu.memory_space<vmem_shared>>
      tpu.wait_dma2 semaphore(%run_scoped3A_22 : memref<!tpu.dma_semaphore, #tpu.memory_space<semaphore_mem>>) src(%dma_wait3A_30 : memref<632x128xf32, #tpu.memory_space<vmem_shared>>) dst(%dma_wait3A_28 : memref<632x128xf32, #tpu.memory_space<hbm>>)
      tpu.yield
    }) : () -> ()
    return
  }
}

module attributes {stable_mosaic.version = 14 : i64} {
  func.func @_y1_body(%arg0: i32, %arg1: memref<1000x32xf32, #tpu.memory_space<vmem>>, %arg2: memref<1000x256xf32, #tpu.memory_space<vmem>>, %arg3: memref<256x256xf32, #tpu.memory_space<vmem>>, %arg4: memref<2x1000x128xf32, #tpu.memory_space<vmem>>, %arg5: memref<1000x1xf32, #tpu.memory_space<vmem>>) attributes {dimension_semantics = [#tpu.dimension_semantics<arbitrary>], iteration_bounds = array<i64: 10>, scalar_prefetch = 0 : i64, scratch_operands = 0 : i64, tpu.core_type = #tpu.core_type<tc>, window_params = [{transform_indices = @transform_0, window_bounds = array<i64: 1000, 32>}, {transform_indices = @transform_1, window_bounds = array<i64: 1000, 256>}, {pipeline_mode = #tpu.pipeline_mode<synchronous>, transform_indices = @transform_2, window_bounds = array<i64: 256, 256>}, {transform_indices = @transform_3, window_bounds = array<i64: 2, 1000, 128>}, {transform_indices = @transform_4, window_bounds = array<i64: 1000, 1>}]} {
    %get3A = arith.constant 0 : index
    %get3A_0 = arith.constant 0 : index
    %get3A_1 = vector.load %arg1[%get3A, %get3A_0] : memref<1000x32xf32, #tpu.memory_space<vmem>>, vector<1000x32xf32>
    %reduce_sum3A = arith.constant dense<0.000000e+00> : vector<1000xf32>
    %reduce_sum3A_2 = vector.multi_reduction <add>, %get3A_1, %reduce_sum3A [1] : vector<1000x32xf32> to vector<1000xf32>
    %add3A = arith.constant 1.000000e+00 : f32
    %add3A_3 = vector.broadcast %add3A : f32 to vector<1000xf32>
    %add3A_4 = arith.addf %reduce_sum3A_2, %add3A_3 : vector<1000xf32>
    %rsqrt3A = math.rsqrt %add3A_4 : vector<1000xf32>
    %get3A_5 = arith.constant 0 : index
    %get3A_6 = arith.constant 0 : index
    %get3A_7 = vector.load %arg2[%get3A_5, %get3A_6] : memref<1000x256xf32, #tpu.memory_space<vmem>>, vector<1000x256xf32>
    %get3A_8 = arith.constant 0 : index
    %get3A_9 = arith.constant 0 : index
    %get3A_10 = vector.load %arg3[%get3A_8, %get3A_9] : memref<256x256xf32, #tpu.memory_space<vmem>>, vector<256x256xf32>
    %dot_general3A = arith.constant dense<0.000000e+00> : vector<1000x256xf32>
    %dot_general3A_11 = tpu.matmul %get3A_7, %get3A_10, %dot_general3A {dimension_numbers = #tpu.dot_dimension_numbers<[1], [0], [0], [1], [0, 0, 1, 1], [], []>, transpose_lhs_hint = false} : vector<1000x256xf32>, vector<256x256xf32>, vector<1000x256xf32> -> vector<1000x256xf32>
    %broadcast_in_dim3A = vector.shape_cast %rsqrt3A : vector<1000xf32> to vector<1000x1xf32>
    %mul3A = vector.broadcast %broadcast_in_dim3A : vector<1000x1xf32> to vector<1000x256xf32>
    %mul3A_12 = arith.mulf %dot_general3A_11, %mul3A : vector<1000x256xf32>
    %slice3A = vector.extract_strided_slice %mul3A_12 {offsets = [0, 0], sizes = [1000, 128], strides = [1, 1]} : vector<1000x256xf32> to vector<1000x128xf32>
    %swap3A = arith.constant 0 : index
    %swap3A_13 = arith.constant 0 : index
    %swap3A_14 = arith.constant 0 : index
    %swap3A_15 = vector.load %arg4[%swap3A, %swap3A_13, %swap3A_14] : memref<2x1000x128xf32, #tpu.memory_space<vmem>>, vector<1x1000x128xf32>
    %swap3A_16 = vector.shape_cast %swap3A_15 : vector<1x1000x128xf32> to vector<1000x128xf32>
    %swap3A_17 = vector.shape_cast %slice3A : vector<1000x128xf32> to vector<1x1000x128xf32>
    tpu.vector_store %arg4[%swap3A, %swap3A_13, %swap3A_14], %swap3A_17 {strides = array<i32>} : memref<2x1000x128xf32, #tpu.memory_space<vmem>>, vector<1x1000x128xf32>,
    %slice3A_18 = vector.extract_strided_slice %mul3A_12 {offsets = [0, 128], sizes = [1000, 128], strides = [1, 1]} : vector<1000x256xf32> to vector<1000x128xf32>
    %swap3A_19 = arith.constant 1 : index
    %swap3A_20 = arith.constant 0 : index
    %swap3A_21 = arith.constant 0 : index
    %swap3A_22 = vector.load %arg4[%swap3A_19, %swap3A_20, %swap3A_21] : memref<2x1000x128xf32, #tpu.memory_space<vmem>>, vector<1x1000x128xf32>
    %swap3A_23 = vector.shape_cast %swap3A_22 : vector<1x1000x128xf32> to vector<1000x128xf32>
    %swap3A_24 = vector.shape_cast %slice3A_18 : vector<1000x128xf32> to vector<1x1000x128xf32>
    tpu.vector_store %arg4[%swap3A_19, %swap3A_20, %swap3A_21], %swap3A_24 {strides = array<i32>} : memref<2x1000x128xf32, #tpu.memory_space<vmem>>, vector<1x1000x128xf32>,
    %broadcast_in_dim3A_25 = vector.shape_cast %rsqrt3A : vector<1000xf32> to vector<1000x1xf32>
    %swap3A_26 = arith.constant 0 : index
    %swap3A_27 = arith.constant 0 : index
    %swap3A_28 = vector.load %arg5[%swap3A_26, %swap3A_27] : memref<1000x1xf32, #tpu.memory_space<vmem>>, vector<1000x1xf32>
    tpu.vector_store %arg5[%swap3A_26, %swap3A_27], %broadcast_in_dim3A_25 {strides = array<i32>} : memref<1000x1xf32, #tpu.memory_space<vmem>>, vector<1000x1xf32>,
    return
  }
  func.func @transform_0(%arg0: i32) -> (i32, i32) {
    %c0_i32 = arith.constant 0 : i32
    %c0_i32_0 = arith.constant 0 : i32
    return %arg0, %c0_i32 : i32, i32
  }
  func.func @transform_1(%arg0: i32) -> (i32, i32) {
    %c0_i32 = arith.constant 0 : i32
    %c0_i32_0 = arith.constant 0 : i32
    return %arg0, %c0_i32 : i32, i32
  }
  func.func @transform_2(%arg0: i32) -> (i32, i32) {
    %c0_i32 = arith.constant 0 : i32
    %c0_i32_0 = arith.constant 0 : i32
    %c0_i32_1 = arith.constant 0 : i32
    return %c0_i32, %c0_i32_0 : i32, i32
  }
  func.func @transform_3(%arg0: i32) -> (i32, i32, i32) {
    %c0_i32 = arith.constant 0 : i32
    %c0_i32_0 = arith.constant 0 : i32
    %c0_i32_1 = arith.constant 0 : i32
    return %c0_i32, %arg0, %c0_i32_0 : i32, i32, i32
  }
  func.func @transform_4(%arg0: i32) -> (i32, i32) {
    %c0_i32 = arith.constant 0 : i32
    %c0_i32_0 = arith.constant 0 : i32
    return %arg0, %c0_i32 : i32, i32
  }
}

module attributes {stable_mosaic.version = 14 : i64} {
  func.func @body(%arg0: i32, %arg1: memref<2x1000x128xf32, #tpu.memory_space<vmem>>, %arg2: memref<2x1000x128xf32, #tpu.memory_space<vmem>>, %arg3: memref<1000x1xf32, #tpu.memory_space<vmem>>, %arg4: memref<1x256xf32, #tpu.memory_space<vmem>>, %arg5: memref<2x256xf32, #tpu.memory_space<vmem>>) attributes {dimension_semantics = [#tpu.dimension_semantics<arbitrary>], iteration_bounds = array<i64: 10>, scalar_prefetch = 0 : i64, scratch_operands = 0 : i64, tpu.core_type = #tpu.core_type<tc>, window_params = [{transform_indices = @transform_0, window_bounds = array<i64: 2, 1000, 128>}, {transform_indices = @transform_1, window_bounds = array<i64: 2, 1000, 128>}, {transform_indices = @transform_2, window_bounds = array<i64: 1000, 1>}, {pipeline_mode = #tpu.pipeline_mode<synchronous>, transform_indices = @transform_3, window_bounds = array<i64: 1, 256>}, {pipeline_mode = #tpu.pipeline_mode<synchronous>, transform_indices = @transform_4, window_bounds = array<i64: 2, 256>}]} {
    %get3A = arith.constant 0 : index
    %get3A_0 = arith.constant 0 : index
    %get3A_1 = vector.load %arg3[%get3A, %get3A_0] : memref<1000x1xf32, #tpu.memory_space<vmem>>, vector<1000x1xf32>
    %get3A_2 = arith.constant 0 : index
    %get3A_3 = arith.constant 0 : index
    %get3A_4 = arith.constant 0 : index
    %get3A_5 = vector.load %arg1[%get3A_2, %get3A_3, %get3A_4] : memref<2x1000x128xf32, #tpu.memory_space<vmem>>, vector<1x1000x128xf32>
    %get3A_6 = vector.shape_cast %get3A_5 : vector<1x1000x128xf32> to vector<1000x128xf32>
    %get3A_7 = arith.constant 0 : index
    %get3A_8 = arith.constant 0 : index
    %get3A_9 = arith.constant 0 : index
    %get3A_10 = vector.load %arg2[%get3A_7, %get3A_8, %get3A_9] : memref<2x1000x128xf32, #tpu.memory_space<vmem>>, vector<1x1000x128xf32>
    %get3A_11 = vector.shape_cast %get3A_10 : vector<1x1000x128xf32> to vector<1000x128xf32>
    %add3A = arith.addf %get3A_6, %get3A_11 : vector<1000x128xf32>
    %get3A_12 = arith.constant 1 : index
    %get3A_13 = arith.constant 0 : index
    %get3A_14 = arith.constant 0 : index
    %get3A_15 = vector.load %arg1[%get3A_12, %get3A_13, %get3A_14] : memref<2x1000x128xf32, #tpu.memory_space<vmem>>, vector<1x1000x128xf32>
    %get3A_16 = vector.shape_cast %get3A_15 : vector<1x1000x128xf32> to vector<1000x128xf32>
    %get3A_17 = arith.constant 1 : index
    %get3A_18 = arith.constant 0 : index
    %get3A_19 = arith.constant 0 : index
    %get3A_20 = vector.load %arg2[%get3A_17, %get3A_18, %get3A_19] : memref<2x1000x128xf32, #tpu.memory_space<vmem>>, vector<1x1000x128xf32>
    %get3A_21 = vector.shape_cast %get3A_20 : vector<1x1000x128xf32> to vector<1000x128xf32>
    %add3A_22 = arith.addf %get3A_16, %get3A_21 : vector<1000x128xf32>
    %concatenate3A = tpu.concatenate %add3A, %add3A_22 in 1 : vector<1000x128xf32>, vector<1000x128xf32> -> vector<1000x256xf32>
    %mul3A = vector.broadcast %get3A_1 : vector<1000x1xf32> to vector<1000x256xf32>
    %mul3A_23 = arith.mulf %concatenate3A, %mul3A : vector<1000x256xf32>
    %get3A_24 = arith.constant 0 : index
    %get3A_25 = arith.constant 0 : index
    %get3A_26 = vector.load %arg4[%get3A_24, %get3A_25] : memref<1x256xf32, #tpu.memory_space<vmem>>, vector<1x256xf32>
    %add3A_27 = vector.broadcast %get3A_26 : vector<1x256xf32> to vector<1000x256xf32>
    %add3A_28 = arith.addf %mul3A_23, %add3A_27 : vector<1000x256xf32>
    %reduce_sum3A = arith.constant dense<0.000000e+00> : vector<256xf32>
    %reduce_sum3A_29 = vector.multi_reduction <add>, %add3A_28, %reduce_sum3A [0] : vector<1000x256xf32> to vector<256xf32>
    %broadcast_in_dim3A = vector.shape_cast %reduce_sum3A_29 : vector<256xf32> to vector<1x256xf32>
    %mul3A_30 = arith.mulf %add3A_28, %add3A_28 : vector<1000x256xf32>
    %reduce_sum3A_31 = arith.constant dense<0.000000e+00> : vector<256xf32>
    %reduce_sum3A_32 = vector.multi_reduction <add>, %mul3A_30, %reduce_sum3A_31 [0] : vector<1000x256xf32> to vector<256xf32>
    %broadcast_in_dim3A_33 = vector.shape_cast %reduce_sum3A_32 : vector<256xf32> to vector<1x256xf32>
    %concatenate3A_34 = tpu.concatenate %broadcast_in_dim3A, %broadcast_in_dim3A_33 in 0 : vector<1x256xf32>, vector<1x256xf32> -> vector<2x256xf32>
    %eq3A = arith.constant 0 : i32
    %eq3A_35 = arith.cmpi eq, %arg0, %eq3A : i32
    %convert_element_type3A = arith.extui %eq3A_35 : i1 to i32
    %cond3A = arith.constant 0 : i32
    %cond3A_36 = arith.cmpi ne, %convert_element_type3A, %cond3A : i32
    scf.if %cond3A_36 {
      %broadcast_in_dim3A_43 = arith.constant 0.000000e+00 : f32
      %broadcast_in_dim3A_44 = vector.broadcast %broadcast_in_dim3A_43 : f32 to vector<2x256xf32>
      %swap3A_45 = arith.constant 0 : index
      %swap3A_46 = arith.constant 0 : index
      %swap3A_47 = vector.load %arg5[%swap3A_45, %swap3A_46] : memref<2x256xf32, #tpu.memory_space<vmem>>, vector<2x256xf32>
      tpu.vector_store %arg5[%swap3A_45, %swap3A_46], %broadcast_in_dim3A_44 {strides = array<i32>} : memref<2x256xf32, #tpu.memory_space<vmem>>, vector<2x256xf32>,
    } else {
    }
    %get3A_37 = arith.constant 0 : index
    %get3A_38 = arith.constant 0 : index
    %get3A_39 = vector.load %arg5[%get3A_37, %get3A_38] : memref<2x256xf32, #tpu.memory_space<vmem>>, vector<2x256xf32>
    %add3A_40 = arith.addf %get3A_39, %concatenate3A_34 : vector<2x256xf32>
    %swap3A = arith.constant 0 : index
    %swap3A_41 = arith.constant 0 : index
    %swap3A_42 = vector.load %arg5[%swap3A, %swap3A_41] : memref<2x256xf32, #tpu.memory_space<vmem>>, vector<2x256xf32>
    tpu.vector_store %arg5[%swap3A, %swap3A_41], %add3A_40 {strides = array<i32>} : memref<2x256xf32, #tpu.memory_space<vmem>>, vector<2x256xf32>,
    return
  }
  func.func @transform_0(%arg0: i32) -> (i32, i32, i32) {
    %c0_i32 = arith.constant 0 : i32
    %c0_i32_0 = arith.constant 0 : i32
    %c0_i32_1 = arith.constant 0 : i32
    return %c0_i32, %arg0, %c0_i32_0 : i32, i32, i32
  }
  func.func @transform_1(%arg0: i32) -> (i32, i32, i32) {
    %c0_i32 = arith.constant 0 : i32
    %c0_i32_0 = arith.constant 0 : i32
    %c0_i32_1 = arith.constant 0 : i32
    return %c0_i32, %arg0, %c0_i32_0 : i32, i32, i32
  }
  func.func @transform_2(%arg0: i32) -> (i32, i32) {
    %c0_i32 = arith.constant 0 : i32
    %c0_i32_0 = arith.constant 0 : i32
    return %arg0, %c0_i32 : i32, i32
  }
  func.func @transform_3(%arg0: i32) -> (i32, i32) {
    %c0_i32 = arith.constant 0 : i32
    %c0_i32_0 = arith.constant 0 : i32
    %c0_i32_1 = arith.constant 0 : i32
    return %c0_i32, %c0_i32_0 : i32, i32
  }
  func.func @transform_4(%arg0: i32) -> (i32, i32) {
    %c0_i32 = arith.constant 0 : i32
    %c0_i32_0 = arith.constant 0 : i32
    %c0_i32_1 = arith.constant 0 : i32
    return %c0_i32, %c0_i32_0 : i32, i32
  }
}

module attributes {stable_mosaic.version = 14 : i64} {
  func.func @_y2_body(%arg0: i32, %arg1: memref<2x1000x128xf32, #tpu.memory_space<vmem>>, %arg2: memref<2x1000x128xf32, #tpu.memory_space<vmem>>, %arg3: memref<1000x1xf32, #tpu.memory_space<vmem>>, %arg4: memref<1x256xf32, #tpu.memory_space<vmem>>, %arg5: memref<2x256xf32, #tpu.memory_space<vmem>>, %arg6: memref<1x256xf32, #tpu.memory_space<vmem>>, %arg7: memref<1x256xf32, #tpu.memory_space<vmem>>, %arg8: memref<256x128xf32, #tpu.memory_space<vmem>>, %arg9: memref<1x1000x128xf32, #tpu.memory_space<vmem>>) attributes {dimension_semantics = [#tpu.dimension_semantics<arbitrary>], iteration_bounds = array<i64: 10>, scalar_prefetch = 0 : i64, scratch_operands = 0 : i64, tpu.core_type = #tpu.core_type<tc>, window_params = [{transform_indices = @transform_0, window_bounds = array<i64: 2, 1000, 128>}, {transform_indices = @transform_1, window_bounds = array<i64: 2, 1000, 128>}, {transform_indices = @transform_2, window_bounds = array<i64: 1000, 1>}, {pipeline_mode = #tpu.pipeline_mode<synchronous>, transform_indices = @transform_3, window_bounds = array<i64: 1, 256>}, {pipeline_mode = #tpu.pipeline_mode<synchronous>, transform_indices = @transform_4, window_bounds = array<i64: 2, 256>}, {pipeline_mode = #tpu.pipeline_mode<synchronous>, transform_indices = @transform_5, window_bounds = array<i64: 1, 256>}, {pipeline_mode = #tpu.pipeline_mode<synchronous>, transform_indices = @transform_6, window_bounds = array<i64: 1, 256>}, {pipeline_mode = #tpu.pipeline_mode<synchronous>, transform_indices = @transform_7, window_bounds = array<i64: 256, 128>}, {transform_indices = @transform_8, window_bounds = array<i64: 1, 1000, 128>}]} {
    %get3A = arith.constant 0 : index
    %get3A_0 = arith.constant 0 : index
    %get3A_1 = vector.load %arg3[%get3A, %get3A_0] : memref<1000x1xf32, #tpu.memory_space<vmem>>, vector<1000x1xf32>
    %get3A_2 = arith.constant 0 : index
    %get3A_3 = arith.constant 0 : index
    %get3A_4 = arith.constant 0 : index
    %get3A_5 = vector.load %arg1[%get3A_2, %get3A_3, %get3A_4] : memref<2x1000x128xf32, #tpu.memory_space<vmem>>, vector<1x1000x128xf32>
    %get3A_6 = vector.shape_cast %get3A_5 : vector<1x1000x128xf32> to vector<1000x128xf32>
    %get3A_7 = arith.constant 0 : index
    %get3A_8 = arith.constant 0 : index
    %get3A_9 = arith.constant 0 : index
    %get3A_10 = vector.load %arg2[%get3A_7, %get3A_8, %get3A_9] : memref<2x1000x128xf32, #tpu.memory_space<vmem>>, vector<1x1000x128xf32>
    %get3A_11 = vector.shape_cast %get3A_10 : vector<1x1000x128xf32> to vector<1000x128xf32>
    %add3A = arith.addf %get3A_6, %get3A_11 : vector<1000x128xf32>
    %get3A_12 = arith.constant 1 : index
    %get3A_13 = arith.constant 0 : index
    %get3A_14 = arith.constant 0 : index
    %get3A_15 = vector.load %arg1[%get3A_12, %get3A_13, %get3A_14] : memref<2x1000x128xf32, #tpu.memory_space<vmem>>, vector<1x1000x128xf32>
    %get3A_16 = vector.shape_cast %get3A_15 : vector<1x1000x128xf32> to vector<1000x128xf32>
    %get3A_17 = arith.constant 1 : index
    %get3A_18 = arith.constant 0 : index
    %get3A_19 = arith.constant 0 : index
    %get3A_20 = vector.load %arg2[%get3A_17, %get3A_18, %get3A_19] : memref<2x1000x128xf32, #tpu.memory_space<vmem>>, vector<1x1000x128xf32>
    %get3A_21 = vector.shape_cast %get3A_20 : vector<1x1000x128xf32> to vector<1000x128xf32>
    %add3A_22 = arith.addf %get3A_16, %get3A_21 : vector<1000x128xf32>
    %concatenate3A = tpu.concatenate %add3A, %add3A_22 in 1 : vector<1000x128xf32>, vector<1000x128xf32> -> vector<1000x256xf32>
    %mul3A = vector.broadcast %get3A_1 : vector<1000x1xf32> to vector<1000x256xf32>
    %mul3A_23 = arith.mulf %concatenate3A, %mul3A : vector<1000x256xf32>
    %get3A_24 = arith.constant 0 : index
    %get3A_25 = arith.constant 0 : index
    %get3A_26 = vector.load %arg4[%get3A_24, %get3A_25] : memref<1x256xf32, #tpu.memory_space<vmem>>, vector<1x256xf32>
    %add3A_27 = vector.broadcast %get3A_26 : vector<1x256xf32> to vector<1000x256xf32>
    %add3A_28 = arith.addf %mul3A_23, %add3A_27 : vector<1000x256xf32>
    %get3A_29 = arith.constant 0 : index
    %get3A_30 = arith.constant 0 : index
    %get3A_31 = vector.load %arg5[%get3A_29, %get3A_30] : memref<2x256xf32, #tpu.memory_space<vmem>>, vector<1x256xf32>
    %get3A_32 = vector.shape_cast %get3A_31 : vector<1x256xf32> to vector<256xf32>
    %broadcast_in_dim3A = vector.shape_cast %get3A_32 : vector<256xf32> to vector<1x256xf32>
    %div3A = arith.constant 1.000000e+04 : f32
    %div3A_33 = vector.broadcast %div3A : f32 to vector<1x256xf32>
    %div3A_34 = arith.divf %broadcast_in_dim3A, %div3A_33 : vector<1x256xf32>
    %get3A_35 = arith.constant 1 : index
    %get3A_36 = arith.constant 0 : index
    %get3A_37 = vector.load %arg5[%get3A_35, %get3A_36] : memref<2x256xf32, #tpu.memory_space<vmem>>, vector<1x256xf32>
    %get3A_38 = vector.shape_cast %get3A_37 : vector<1x256xf32> to vector<256xf32>
    %broadcast_in_dim3A_39 = vector.shape_cast %get3A_38 : vector<256xf32> to vector<1x256xf32>
    %div3A_40 = arith.constant 1.000000e+04 : f32
    %div3A_41 = vector.broadcast %div3A_40 : f32 to vector<1x256xf32>
    %div3A_42 = arith.divf %broadcast_in_dim3A_39, %div3A_41 : vector<1x256xf32>
    %mul3A_43 = arith.mulf %div3A_34, %div3A_34 : vector<1x256xf32>
    %sub3A = arith.subf %div3A_42, %mul3A_43 : vector<1x256xf32>
    %add3A_44 = arith.constant 9.99999974E-6 : f32
    %add3A_45 = vector.broadcast %add3A_44 : f32 to vector<1x256xf32>
    %add3A_46 = arith.addf %sub3A, %add3A_45 : vector<1x256xf32>
    %rsqrt3A = math.rsqrt %add3A_46 : vector<1x256xf32>
    %sub3A_47 = vector.broadcast %div3A_34 : vector<1x256xf32> to vector<1000x256xf32>
    %sub3A_48 = arith.subf %add3A_28, %sub3A_47 : vector<1000x256xf32>
    %mul3A_49 = vector.broadcast %rsqrt3A : vector<1x256xf32> to vector<1000x256xf32>
    %mul3A_50 = arith.mulf %sub3A_48, %mul3A_49 : vector<1000x256xf32>
    %get3A_51 = arith.constant 0 : index
    %get3A_52 = arith.constant 0 : index
    %get3A_53 = vector.load %arg6[%get3A_51, %get3A_52] : memref<1x256xf32, #tpu.memory_space<vmem>>, vector<1x256xf32>
    %mul3A_54 = vector.broadcast %get3A_53 : vector<1x256xf32> to vector<1000x256xf32>
    %mul3A_55 = arith.mulf %mul3A_50, %mul3A_54 : vector<1000x256xf32>
    %get3A_56 = arith.constant 0 : index
    %get3A_57 = arith.constant 0 : index
    %get3A_58 = vector.load %arg7[%get3A_56, %get3A_57] : memref<1x256xf32, #tpu.memory_space<vmem>>, vector<1x256xf32>
    %add3A_59 = vector.broadcast %get3A_58 : vector<1x256xf32> to vector<1000x256xf32>
    %add3A_60 = arith.addf %mul3A_55, %add3A_59 : vector<1000x256xf32>
    %max3A = arith.constant 0.000000e+00 : f32
    %max3A_61 = vector.broadcast %max3A : f32 to vector<1000x256xf32>
    %max3A_62 = arith.maximumf %add3A_60, %max3A_61 : vector<1000x256xf32>
    %get3A_63 = arith.constant 0 : index
    %get3A_64 = arith.constant 0 : index
    %get3A_65 = vector.load %arg8[%get3A_63, %get3A_64] : memref<256x128xf32, #tpu.memory_space<vmem>>, vector<256x128xf32>
    %dot_general3A = arith.constant dense<0.000000e+00> : vector<1000x128xf32>
    %dot_general3A_66 = tpu.matmul %max3A_62, %get3A_65, %dot_general3A {dimension_numbers = #tpu.dot_dimension_numbers<[1], [0], [0], [1], [0, 0, 1, 1], [], []>, transpose_lhs_hint = false} : vector<1000x256xf32>, vector<256x128xf32>, vector<1000x128xf32> -> vector<1000x128xf32>
    %get3A_67 = arith.constant 0 : index
    %get3A_68 = arith.constant 0 : index
    %get3A_69 = vector.load %arg3[%get3A_67, %get3A_68] : memref<1000x1xf32, #tpu.memory_space<vmem>>, vector<1000x1xf32>
    %mul3A_70 = vector.broadcast %get3A_69 : vector<1000x1xf32> to vector<1000x128xf32>
    %mul3A_71 = arith.mulf %dot_general3A_66, %mul3A_70 : vector<1000x128xf32>
    %swap3A = arith.constant 0 : index
    %swap3A_72 = arith.constant 0 : index
    %swap3A_73 = arith.constant 0 : index
    %swap3A_74 = vector.load %arg9[%swap3A, %swap3A_72, %swap3A_73] : memref<1x1000x128xf32, #tpu.memory_space<vmem>>, vector<1x1000x128xf32>
    %swap3A_75 = vector.shape_cast %swap3A_74 : vector<1x1000x128xf32> to vector<1000x128xf32>
    %swap3A_76 = vector.shape_cast %mul3A_71 : vector<1000x128xf32> to vector<1x1000x128xf32>
    tpu.vector_store %arg9[%swap3A, %swap3A_72, %swap3A_73], %swap3A_76 {strides = array<i32>} : memref<1x1000x128xf32, #tpu.memory_space<vmem>>, vector<1x1000x128xf32>,
    return
  }
  func.func @transform_0(%arg0: i32) -> (i32, i32, i32) {
    %c0_i32 = arith.constant 0 : i32
    %c0_i32_0 = arith.constant 0 : i32
    %c0_i32_1 = arith.constant 0 : i32
    return %c0_i32, %arg0, %c0_i32_0 : i32, i32, i32
  }
  func.func @transform_1(%arg0: i32) -> (i32, i32, i32) {
    %c0_i32 = arith.constant 0 : i32
    %c0_i32_0 = arith.constant 0 : i32
    %c0_i32_1 = arith.constant 0 : i32
    return %c0_i32, %arg0, %c0_i32_0 : i32, i32, i32
  }
  func.func @transform_2(%arg0: i32) -> (i32, i32) {
    %c0_i32 = arith.constant 0 : i32
    %c0_i32_0 = arith.constant 0 : i32
    return %arg0, %c0_i32 : i32, i32
  }
  func.func @transform_3(%arg0: i32) -> (i32, i32) {
    %c0_i32 = arith.constant 0 : i32
    %c0_i32_0 = arith.constant 0 : i32
    %c0_i32_1 = arith.constant 0 : i32
    return %c0_i32, %c0_i32_0 : i32, i32
  }
  func.func @transform_4(%arg0: i32) -> (i32, i32) {
    %c0_i32 = arith.constant 0 : i32
    %c0_i32_0 = arith.constant 0 : i32
    %c0_i32_1 = arith.constant 0 : i32
    return %c0_i32, %c0_i32_0 : i32, i32
  }
  func.func @transform_5(%arg0: i32) -> (i32, i32) {
    %c0_i32 = arith.constant 0 : i32
    %c0_i32_0 = arith.constant 0 : i32
    %c0_i32_1 = arith.constant 0 : i32
    return %c0_i32, %c0_i32_0 : i32, i32
  }
  func.func @transform_6(%arg0: i32) -> (i32, i32) {
    %c0_i32 = arith.constant 0 : i32
    %c0_i32_0 = arith.constant 0 : i32
    %c0_i32_1 = arith.constant 0 : i32
    return %c0_i32, %c0_i32_0 : i32, i32
  }
  func.func @transform_7(%arg0: i32) -> (i32, i32) {
    %c0_i32 = arith.constant 0 : i32
    %c0_i32_0 = arith.constant 0 : i32
    %c0_i32_1 = arith.constant 0 : i32
    return %c0_i32, %c0_i32_0 : i32, i32
  }
  func.func @transform_8(%arg0: i32) -> (i32, i32, i32) {
    %c0_i32 = arith.constant 0 : i32
    %c0_i32_0 = arith.constant 0 : i32
    %c0_i32_1 = arith.constant 0 : i32
    return %c0_i32, %arg0, %c0_i32_0 : i32, i32, i32
  }
}

module attributes {stable_mosaic.version = 14 : i64} {
  func.func @body(%arg0: i32, %arg1: memref<2x1000x128xf32, #tpu.memory_space<vmem>>, %arg2: memref<1x1000x128xf32, #tpu.memory_space<vmem>>, %arg3: memref<1000x1xf32, #tpu.memory_space<vmem>>, %arg4: memref<1x128xf32, #tpu.memory_space<vmem>>, %arg5: memref<2x128xf32, #tpu.memory_space<vmem>>) attributes {dimension_semantics = [#tpu.dimension_semantics<arbitrary>], iteration_bounds = array<i64: 10>, scalar_prefetch = 0 : i64, scratch_operands = 0 : i64, tpu.core_type = #tpu.core_type<tc>, window_params = [{transform_indices = @transform_0, window_bounds = array<i64: 2, 1000, 128>}, {transform_indices = @transform_1, window_bounds = array<i64: 1, 1000, 128>}, {transform_indices = @transform_2, window_bounds = array<i64: 1000, 1>}, {pipeline_mode = #tpu.pipeline_mode<synchronous>, transform_indices = @transform_3, window_bounds = array<i64: 1, 128>}, {pipeline_mode = #tpu.pipeline_mode<synchronous>, transform_indices = @transform_4, window_bounds = array<i64: 2, 128>}]} {
    %get3A = arith.constant 0 : index
    %get3A_0 = arith.constant 0 : index
    %get3A_1 = vector.load %arg3[%get3A, %get3A_0] : memref<1000x1xf32, #tpu.memory_space<vmem>>, vector<1000x1xf32>
    %get3A_2 = arith.constant 0 : index
    %get3A_3 = arith.constant 0 : index
    %get3A_4 = arith.constant 0 : index
    %get3A_5 = vector.load %arg1[%get3A_2, %get3A_3, %get3A_4] : memref<2x1000x128xf32, #tpu.memory_space<vmem>>, vector<1x1000x128xf32>
    %get3A_6 = vector.shape_cast %get3A_5 : vector<1x1000x128xf32> to vector<1000x128xf32>
    %get3A_7 = arith.constant 1 : index
    %get3A_8 = arith.constant 0 : index
    %get3A_9 = arith.constant 0 : index
    %get3A_10 = vector.load %arg1[%get3A_7, %get3A_8, %get3A_9] : memref<2x1000x128xf32, #tpu.memory_space<vmem>>, vector<1x1000x128xf32>
    %get3A_11 = vector.shape_cast %get3A_10 : vector<1x1000x128xf32> to vector<1000x128xf32>
    %add3A = arith.addf %get3A_6, %get3A_11 : vector<1000x128xf32>
    %get3A_12 = arith.constant 0 : index
    %get3A_13 = arith.constant 0 : index
    %get3A_14 = arith.constant 0 : index
    %get3A_15 = vector.load %arg2[%get3A_12, %get3A_13, %get3A_14] : memref<1x1000x128xf32, #tpu.memory_space<vmem>>, vector<1x1000x128xf32>
    %get3A_16 = vector.shape_cast %get3A_15 : vector<1x1000x128xf32> to vector<1000x128xf32>
    %add3A_17 = arith.addf %add3A, %get3A_16 : vector<1000x128xf32>
    %mul3A = vector.broadcast %get3A_1 : vector<1000x1xf32> to vector<1000x128xf32>
    %mul3A_18 = arith.mulf %add3A_17, %mul3A : vector<1000x128xf32>
    %get3A_19 = arith.constant 0 : index
    %get3A_20 = arith.constant 0 : index
    %get3A_21 = vector.load %arg4[%get3A_19, %get3A_20] : memref<1x128xf32, #tpu.memory_space<vmem>>, vector<1x128xf32>
    %add3A_22 = vector.broadcast %get3A_21 : vector<1x128xf32> to vector<1000x128xf32>
    %add3A_23 = arith.addf %mul3A_18, %add3A_22 : vector<1000x128xf32>
    %reduce_sum3A = arith.constant dense<0.000000e+00> : vector<128xf32>
    %reduce_sum3A_24 = vector.multi_reduction <add>, %add3A_23, %reduce_sum3A [0] : vector<1000x128xf32> to vector<128xf32>
    %broadcast_in_dim3A = vector.shape_cast %reduce_sum3A_24 : vector<128xf32> to vector<1x128xf32>
    %mul3A_25 = arith.mulf %add3A_23, %add3A_23 : vector<1000x128xf32>
    %reduce_sum3A_26 = arith.constant dense<0.000000e+00> : vector<128xf32>
    %reduce_sum3A_27 = vector.multi_reduction <add>, %mul3A_25, %reduce_sum3A_26 [0] : vector<1000x128xf32> to vector<128xf32>
    %broadcast_in_dim3A_28 = vector.shape_cast %reduce_sum3A_27 : vector<128xf32> to vector<1x128xf32>
    %concatenate3A = tpu.concatenate %broadcast_in_dim3A, %broadcast_in_dim3A_28 in 0 : vector<1x128xf32>, vector<1x128xf32> -> vector<2x128xf32>
    %eq3A = arith.constant 0 : i32
    %eq3A_29 = arith.cmpi eq, %arg0, %eq3A : i32
    %convert_element_type3A = arith.extui %eq3A_29 : i1 to i32
    %cond3A = arith.constant 0 : i32
    %cond3A_30 = arith.cmpi ne, %convert_element_type3A, %cond3A : i32
    scf.if %cond3A_30 {
      %broadcast_in_dim3A_37 = arith.constant 0.000000e+00 : f32
      %broadcast_in_dim3A_38 = vector.broadcast %broadcast_in_dim3A_37 : f32 to vector<2x128xf32>
      %swap3A_39 = arith.constant 0 : index
      %swap3A_40 = arith.constant 0 : index
      %swap3A_41 = vector.load %arg5[%swap3A_39, %swap3A_40] : memref<2x128xf32, #tpu.memory_space<vmem>>, vector<2x128xf32>
      tpu.vector_store %arg5[%swap3A_39, %swap3A_40], %broadcast_in_dim3A_38 {strides = array<i32>} : memref<2x128xf32, #tpu.memory_space<vmem>>, vector<2x128xf32>,
    } else {
    }
    %get3A_31 = arith.constant 0 : index
    %get3A_32 = arith.constant 0 : index
    %get3A_33 = vector.load %arg5[%get3A_31, %get3A_32] : memref<2x128xf32, #tpu.memory_space<vmem>>, vector<2x128xf32>
    %add3A_34 = arith.addf %get3A_33, %concatenate3A : vector<2x128xf32>
    %swap3A = arith.constant 0 : index
    %swap3A_35 = arith.constant 0 : index
    %swap3A_36 = vector.load %arg5[%swap3A, %swap3A_35] : memref<2x128xf32, #tpu.memory_space<vmem>>, vector<2x128xf32>
    tpu.vector_store %arg5[%swap3A, %swap3A_35], %add3A_34 {strides = array<i32>} : memref<2x128xf32, #tpu.memory_space<vmem>>, vector<2x128xf32>,
    return
  }
  func.func @transform_0(%arg0: i32) -> (i32, i32, i32) {
    %c0_i32 = arith.constant 0 : i32
    %c0_i32_0 = arith.constant 0 : i32
    %c0_i32_1 = arith.constant 0 : i32
    return %c0_i32, %arg0, %c0_i32_0 : i32, i32, i32
  }
  func.func @transform_1(%arg0: i32) -> (i32, i32, i32) {
    %c0_i32 = arith.constant 0 : i32
    %c0_i32_0 = arith.constant 0 : i32
    %c0_i32_1 = arith.constant 0 : i32
    return %c0_i32, %arg0, %c0_i32_0 : i32, i32, i32
  }
  func.func @transform_2(%arg0: i32) -> (i32, i32) {
    %c0_i32 = arith.constant 0 : i32
    %c0_i32_0 = arith.constant 0 : i32
    return %arg0, %c0_i32 : i32, i32
  }
  func.func @transform_3(%arg0: i32) -> (i32, i32) {
    %c0_i32 = arith.constant 0 : i32
    %c0_i32_0 = arith.constant 0 : i32
    %c0_i32_1 = arith.constant 0 : i32
    return %c0_i32, %c0_i32_0 : i32, i32
  }
  func.func @transform_4(%arg0: i32) -> (i32, i32) {
    %c0_i32 = arith.constant 0 : i32
    %c0_i32_0 = arith.constant 0 : i32
    %c0_i32_1 = arith.constant 0 : i32
    return %c0_i32, %c0_i32_0 : i32, i32
  }
}

module attributes {stable_mosaic.version = 14 : i64} {
  func.func @_pool_body(%arg0: i32, %arg1: memref<2x1000x128xf32, #tpu.memory_space<vmem>>, %arg2: memref<1x1000x128xf32, #tpu.memory_space<vmem>>, %arg3: memref<1000x1xf32, #tpu.memory_space<vmem>>, %arg4: memref<1x128xf32, #tpu.memory_space<vmem>>, %arg5: memref<2x128xf32, #tpu.memory_space<vmem>>, %arg6: memref<1x128xf32, #tpu.memory_space<vmem>>, %arg7: memref<1x128xf32, #tpu.memory_space<vmem>>, %arg8: memref<1000x1xi32, #tpu.memory_space<vmem>>, %arg9: memref<64x128xf32, #tpu.memory_space<vmem>>, %arg10: memref<64x128xf32, #tpu.memory_space<vmem>>, %arg11: memref<64x128xf32, #tpu.memory_space<vmem>>) attributes {dimension_semantics = [#tpu.dimension_semantics<arbitrary>], iteration_bounds = array<i64: 10>, scalar_prefetch = 0 : i64, scratch_operands = 2 : i64, tpu.core_type = #tpu.core_type<tc>, window_params = [{transform_indices = @transform_0, window_bounds = array<i64: 2, 1000, 128>}, {transform_indices = @transform_1, window_bounds = array<i64: 1, 1000, 128>}, {transform_indices = @transform_2, window_bounds = array<i64: 1000, 1>}, {pipeline_mode = #tpu.pipeline_mode<synchronous>, transform_indices = @transform_3, window_bounds = array<i64: 1, 128>}, {pipeline_mode = #tpu.pipeline_mode<synchronous>, transform_indices = @transform_4, window_bounds = array<i64: 2, 128>}, {pipeline_mode = #tpu.pipeline_mode<synchronous>, transform_indices = @transform_5, window_bounds = array<i64: 1, 128>}, {pipeline_mode = #tpu.pipeline_mode<synchronous>, transform_indices = @transform_6, window_bounds = array<i64: 1, 128>}, {transform_indices = @transform_7, window_bounds = array<i64: 1000, 1>}, {pipeline_mode = #tpu.pipeline_mode<synchronous>, transform_indices = @transform_8, window_bounds = array<i64: 64, 128>}]} {
    %get3A = arith.constant 0 : index
    %get3A_0 = arith.constant 0 : index
    %get3A_1 = vector.load %arg3[%get3A, %get3A_0] : memref<1000x1xf32, #tpu.memory_space<vmem>>, vector<1000x1xf32>
    %get3A_2 = arith.constant 0 : index
    %get3A_3 = arith.constant 0 : index
    %get3A_4 = arith.constant 0 : index
    %get3A_5 = vector.load %arg1[%get3A_2, %get3A_3, %get3A_4] : memref<2x1000x128xf32, #tpu.memory_space<vmem>>, vector<1x1000x128xf32>
    %get3A_6 = vector.shape_cast %get3A_5 : vector<1x1000x128xf32> to vector<1000x128xf32>
    %get3A_7 = arith.constant 1 : index
    %get3A_8 = arith.constant 0 : index
    %get3A_9 = arith.constant 0 : index
    %get3A_10 = vector.load %arg1[%get3A_7, %get3A_8, %get3A_9] : memref<2x1000x128xf32, #tpu.memory_space<vmem>>, vector<1x1000x128xf32>
    %get3A_11 = vector.shape_cast %get3A_10 : vector<1x1000x128xf32> to vector<1000x128xf32>
    %add3A = arith.addf %get3A_6, %get3A_11 : vector<1000x128xf32>
    %get3A_12 = arith.constant 0 : index
    %get3A_13 = arith.constant 0 : index
    %get3A_14 = arith.constant 0 : index
    %get3A_15 = vector.load %arg2[%get3A_12, %get3A_13, %get3A_14] : memref<1x1000x128xf32, #tpu.memory_space<vmem>>, vector<1x1000x128xf32>
    %get3A_16 = vector.shape_cast %get3A_15 : vector<1x1000x128xf32> to vector<1000x128xf32>
    %add3A_17 = arith.addf %add3A, %get3A_16 : vector<1000x128xf32>
    %mul3A = vector.broadcast %get3A_1 : vector<1000x1xf32> to vector<1000x128xf32>
    %mul3A_18 = arith.mulf %add3A_17, %mul3A : vector<1000x128xf32>
    %get3A_19 = arith.constant 0 : index
    %get3A_20 = arith.constant 0 : index
    %get3A_21 = vector.load %arg4[%get3A_19, %get3A_20] : memref<1x128xf32, #tpu.memory_space<vmem>>, vector<1x128xf32>
    %add3A_22 = vector.broadcast %get3A_21 : vector<1x128xf32> to vector<1000x128xf32>
    %add3A_23 = arith.addf %mul3A_18, %add3A_22 : vector<1000x128xf32>
    %get3A_24 = arith.constant 0 : index
    %get3A_25 = arith.constant 0 : index
    %get3A_26 = vector.load %arg5[%get3A_24, %get3A_25] : memref<2x128xf32, #tpu.memory_space<vmem>>, vector<1x128xf32>
    %get3A_27 = vector.shape_cast %get3A_26 : vector<1x128xf32> to vector<128xf32>
    %broadcast_in_dim3A = vector.shape_cast %get3A_27 : vector<128xf32> to vector<1x128xf32>
    %div3A = arith.constant 1.000000e+04 : f32
    %div3A_28 = vector.broadcast %div3A : f32 to vector<1x128xf32>
    %div3A_29 = arith.divf %broadcast_in_dim3A, %div3A_28 : vector<1x128xf32>
    %get3A_30 = arith.constant 1 : index
    %get3A_31 = arith.constant 0 : index
    %get3A_32 = vector.load %arg5[%get3A_30, %get3A_31] : memref<2x128xf32, #tpu.memory_space<vmem>>, vector<1x128xf32>
    %get3A_33 = vector.shape_cast %get3A_32 : vector<1x128xf32> to vector<128xf32>
    %broadcast_in_dim3A_34 = vector.shape_cast %get3A_33 : vector<128xf32> to vector<1x128xf32>
    %div3A_35 = arith.constant 1.000000e+04 : f32
    %div3A_36 = vector.broadcast %div3A_35 : f32 to vector<1x128xf32>
    %div3A_37 = arith.divf %broadcast_in_dim3A_34, %div3A_36 : vector<1x128xf32>
    %mul3A_38 = arith.mulf %div3A_29, %div3A_29 : vector<1x128xf32>
    %sub3A = arith.subf %div3A_37, %mul3A_38 : vector<1x128xf32>
    %add3A_39 = arith.constant 9.99999974E-6 : f32
    %add3A_40 = vector.broadcast %add3A_39 : f32 to vector<1x128xf32>
    %add3A_41 = arith.addf %sub3A, %add3A_40 : vector<1x128xf32>
    %rsqrt3A = math.rsqrt %add3A_41 : vector<1x128xf32>
    %sub3A_42 = vector.broadcast %div3A_29 : vector<1x128xf32> to vector<1000x128xf32>
    %sub3A_43 = arith.subf %add3A_23, %sub3A_42 : vector<1000x128xf32>
    %mul3A_44 = vector.broadcast %rsqrt3A : vector<1x128xf32> to vector<1000x128xf32>
    %mul3A_45 = arith.mulf %sub3A_43, %mul3A_44 : vector<1000x128xf32>
    %get3A_46 = arith.constant 0 : index
    %get3A_47 = arith.constant 0 : index
    %get3A_48 = vector.load %arg6[%get3A_46, %get3A_47] : memref<1x128xf32, #tpu.memory_space<vmem>>, vector<1x128xf32>
    %mul3A_49 = vector.broadcast %get3A_48 : vector<1x128xf32> to vector<1000x128xf32>
    %mul3A_50 = arith.mulf %mul3A_45, %mul3A_49 : vector<1000x128xf32>
    %get3A_51 = arith.constant 0 : index
    %get3A_52 = arith.constant 0 : index
    %get3A_53 = vector.load %arg7[%get3A_51, %get3A_52] : memref<1x128xf32, #tpu.memory_space<vmem>>, vector<1x128xf32>
    %add3A_54 = vector.broadcast %get3A_53 : vector<1x128xf32> to vector<1000x128xf32>
    %add3A_55 = arith.addf %mul3A_50, %add3A_54 : vector<1000x128xf32>
    %max3A = arith.constant 0.000000e+00 : f32
    %max3A_56 = vector.broadcast %max3A : f32 to vector<1000x128xf32>
    %max3A_57 = arith.maximumf %add3A_55, %max3A_56 : vector<1000x128xf32>
    %iota3A = tpu.iota {dimensions = array<i32: 1>} : vector<1000x64xi32>
    %get3A_58 = arith.constant 0 : index
    %get3A_59 = arith.constant 0 : index
    %get3A_60 = vector.load %arg8[%get3A_58, %get3A_59] : memref<1000x1xi32, #tpu.memory_space<vmem>>, vector<1000x1xi32>
    %eq3A = vector.broadcast %get3A_60 : vector<1000x1xi32> to vector<1000x64xi32>
    %eq3A_61 = arith.cmpi eq, %eq3A, %iota3A : vector<1000x64xi32>
    %convert_element_type3A = arith.extui %eq3A_61 : vector<1000x64xi1> to vector<1000x64xi32>
    %convert_element_type3A_62 = arith.sitofp %convert_element_type3A : vector<1000x64xi32> to vector<1000x64xf32>
    %eq3A_63 = arith.constant 0 : i32
    %eq3A_64 = arith.cmpi eq, %arg0, %eq3A_63 : i32
    %convert_element_type3A_65 = arith.extui %eq3A_64 : i1 to i32
    %cond3A = arith.constant 0 : i32
    %cond3A_66 = arith.cmpi ne, %convert_element_type3A_65, %cond3A : i32
    scf.if %cond3A_66 {
      %broadcast_in_dim3A_90 = arith.constant 0.000000e+00 : f32
      %broadcast_in_dim3A_91 = vector.broadcast %broadcast_in_dim3A_90 : f32 to vector<64x128xf32>
      %swap3A_92 = arith.constant 0 : index
      %swap3A_93 = arith.constant 0 : index
      %swap3A_94 = vector.load %arg10[%swap3A_92, %swap3A_93] : memref<64x128xf32, #tpu.memory_space<vmem>>, vector<64x128xf32>
      tpu.vector_store %arg10[%swap3A_92, %swap3A_93], %broadcast_in_dim3A_91 {strides = array<i32>} : memref<64x128xf32, #tpu.memory_space<vmem>>, vector<64x128xf32>,
      %broadcast_in_dim3A_95 = arith.constant 0.000000e+00 : f32
      %broadcast_in_dim3A_96 = vector.broadcast %broadcast_in_dim3A_95 : f32 to vector<64x128xf32>
      %swap3A_97 = arith.constant 0 : index
      %swap3A_98 = arith.constant 0 : index
      %swap3A_99 = vector.load %arg11[%swap3A_97, %swap3A_98] : memref<64x128xf32, #tpu.memory_space<vmem>>, vector<64x128xf32>
      tpu.vector_store %arg11[%swap3A_97, %swap3A_98], %broadcast_in_dim3A_96 {strides = array<i32>} : memref<64x128xf32, #tpu.memory_space<vmem>>, vector<64x128xf32>,
    } else {
    }
    %get3A_67 = arith.constant 0 : index
    %get3A_68 = arith.constant 0 : index
    %get3A_69 = vector.load %arg10[%get3A_67, %get3A_68] : memref<64x128xf32, #tpu.memory_space<vmem>>, vector<64x128xf32>
    %dot_general3A = arith.constant dense<0.000000e+00> : vector<64x128xf32>
    %dot_general3A_70 = tpu.matmul %convert_element_type3A_62, %max3A_57, %dot_general3A {dimension_numbers = #tpu.dot_dimension_numbers<[0], [0], [1], [1], [0, 1, 1, 1], [], []>, transpose_lhs_hint = false} : vector<1000x64xf32>, vector<1000x128xf32>, vector<64x128xf32> -> vector<64x128xf32>
    %add3A_71 = arith.addf %get3A_69, %dot_general3A_70 : vector<64x128xf32>
    %swap3A = arith.constant 0 : index
    %swap3A_72 = arith.constant 0 : index
    %swap3A_73 = vector.load %arg10[%swap3A, %swap3A_72] : memref<64x128xf32, #tpu.memory_space<vmem>>, vector<64x128xf32>
    tpu.vector_store %arg10[%swap3A, %swap3A_72], %add3A_71 {strides = array<i32>} : memref<64x128xf32, #tpu.memory_space<vmem>>, vector<64x128xf32>,
    %get3A_74 = arith.constant 0 : index
    %get3A_75 = arith.constant 0 : index
    %get3A_76 = vector.load %arg11[%get3A_74, %get3A_75] : memref<64x128xf32, #tpu.memory_space<vmem>>, vector<64x128xf32>
    %broadcast_in_dim3A_77 = arith.constant 1.000000e+00 : f32
    %broadcast_in_dim3A_78 = vector.broadcast %broadcast_in_dim3A_77 : f32 to vector<1000x128xf32>
    %dot_general3A_79 = arith.constant dense<0.000000e+00> : vector<64x128xf32>
    %dot_general3A_80 = tpu.matmul %convert_element_type3A_62, %broadcast_in_dim3A_78, %dot_general3A_79 {dimension_numbers = #tpu.dot_dimension_numbers<[0], [0], [1], [1], [0, 1, 1, 1], [], []>, transpose_lhs_hint = false} : vector<1000x64xf32>, vector<1000x128xf32>, vector<64x128xf32> -> vector<64x128xf32>
    %add3A_81 = arith.addf %get3A_76, %dot_general3A_80 : vector<64x128xf32>
    %swap3A_82 = arith.constant 0 : index
    %swap3A_83 = arith.constant 0 : index
    %swap3A_84 = vector.load %arg11[%swap3A_82, %swap3A_83] : memref<64x128xf32, #tpu.memory_space<vmem>>, vector<64x128xf32>
    tpu.vector_store %arg11[%swap3A_82, %swap3A_83], %add3A_81 {strides = array<i32>} : memref<64x128xf32, #tpu.memory_space<vmem>>, vector<64x128xf32>,
    %eq3A_85 = arith.constant 9 : i32
    %eq3A_86 = arith.cmpi eq, %arg0, %eq3A_85 : i32
    %convert_element_type3A_87 = arith.extui %eq3A_86 : i1 to i32
    %cond3A_88 = arith.constant 0 : i32
    %cond3A_89 = arith.cmpi ne, %convert_element_type3A_87, %cond3A_88 : i32
    scf.if %cond3A_89 {
      %get3A_90 = arith.constant 0 : index
      %get3A_91 = arith.constant 0 : index
      %get3A_92 = vector.load %arg10[%get3A_90, %get3A_91] : memref<64x128xf32, #tpu.memory_space<vmem>>, vector<64x128xf32>
      %get3A_93 = arith.constant 0 : index
      %get3A_94 = arith.constant 0 : index
      %get3A_95 = vector.load %arg11[%get3A_93, %get3A_94] : memref<64x128xf32, #tpu.memory_space<vmem>>, vector<64x128xf32>
      %max3A_96 = arith.constant 1.000000e+00 : f32
      %max3A_97 = vector.broadcast %max3A_96 : f32 to vector<64x128xf32>
      %max3A_98 = arith.maximumf %get3A_95, %max3A_97 : vector<64x128xf32>
      %div3A_99 = arith.divf %get3A_92, %max3A_98 : vector<64x128xf32>
      %swap3A_100 = arith.constant 0 : index
      %swap3A_101 = arith.constant 0 : index
      %swap3A_102 = vector.load %arg9[%swap3A_100, %swap3A_101] : memref<64x128xf32, #tpu.memory_space<vmem>>, vector<64x128xf32>
      tpu.vector_store %arg9[%swap3A_100, %swap3A_101], %div3A_99 {strides = array<i32>} : memref<64x128xf32, #tpu.memory_space<vmem>>, vector<64x128xf32>,
    } else {
    }
    return
  }
  func.func @transform_0(%arg0: i32) -> (i32, i32, i32) {
    %c0_i32 = arith.constant 0 : i32
    %c0_i32_0 = arith.constant 0 : i32
    %c0_i32_1 = arith.constant 0 : i32
    return %c0_i32, %arg0, %c0_i32_0 : i32, i32, i32
  }
  func.func @transform_1(%arg0: i32) -> (i32, i32, i32) {
    %c0_i32 = arith.constant 0 : i32
    %c0_i32_0 = arith.constant 0 : i32
    %c0_i32_1 = arith.constant 0 : i32
    return %c0_i32, %arg0, %c0_i32_0 : i32, i32, i32
  }
  func.func @transform_2(%arg0: i32) -> (i32, i32) {
    %c0_i32 = arith.constant 0 : i32
    %c0_i32_0 = arith.constant 0 : i32
    return %arg0, %c0_i32 : i32, i32
  }
  func.func @transform_3(%arg0: i32) -> (i32, i32) {
    %c0_i32 = arith.constant 0 : i32
    %c0_i32_0 = arith.constant 0 : i32
    %c0_i32_1 = arith.constant 0 : i32
    return %c0_i32, %c0_i32_0 : i32, i32
  }
  func.func @transform_4(%arg0: i32) -> (i32, i32) {
    %c0_i32 = arith.constant 0 : i32
    %c0_i32_0 = arith.constant 0 : i32
    %c0_i32_1 = arith.constant 0 : i32
    return %c0_i32, %c0_i32_0 : i32, i32
  }
  func.func @transform_5(%arg0: i32) -> (i32, i32) {
    %c0_i32 = arith.constant 0 : i32
    %c0_i32_0 = arith.constant 0 : i32
    %c0_i32_1 = arith.constant 0 : i32
    return %c0_i32, %c0_i32_0 : i32, i32
  }
  func.func @transform_6(%arg0: i32) -> (i32, i32) {
    %c0_i32 = arith.constant 0 : i32
    %c0_i32_0 = arith.constant 0 : i32
    %c0_i32_1 = arith.constant 0 : i32
    return %c0_i32, %c0_i32_0 : i32, i32
  }
  func.func @transform_7(%arg0: i32) -> (i32, i32) {
    %c0_i32 = arith.constant 0 : i32
    %c0_i32_0 = arith.constant 0 : i32
    return %arg0, %c0_i32 : i32, i32
  }
  func.func @transform_8(%arg0: i32) -> (i32, i32) {
    %c0_i32 = arith.constant 0 : i32
    %c0_i32_0 = arith.constant 0 : i32
    %c0_i32_1 = arith.constant 0 : i32
    return %c0_i32, %c0_i32_0 : i32, i32
  }
}

</mosaic_0001>

<sc_bundles>
// kernel: kernel.10.cloned.1.call-start
scs
__scs_entry_jumppad:
0x0: {  	(pc) =	sbr.rel $0x88, $3  }
0x1: {  	(tag) =	ssettag $0x0;
	lr =	simm.s32 $0x1  }
0x2: {  	[smem:$0x3F96] =	sst lr;
	_ =	strace $0xD0000000  }
0x3: {  	_ = 	snop  }
0x4: {  	_ = 	snop  }
0x5: {  	_ = 	snop  }
0x6: {  	_ = 	snop  }
0x7: {  	_ = 	snop  }
__scs_overlays_trampoline_lowered:
0x8: {  	[smem:$0x3FA5] =	sst s0  }
0x9: {  	[smem:$0x3FA6] =	sst s1  }
0xa: {  	[smem:$0x3FA7] =	sst s2  }
0xb: {  	[smem:$0x3FA8] =	sst s3  }
0xc: {  	[smem:$0x3FA9] =	sst s4  }
0xd: {  	[smem:$0x3FAA] =	sst s5  }
0xe: {  	[smem:$0x3FAB] =	sst s6  }
0xf: {  	[smem:$0x3FAC] =	sst s7  }
0x10: {  	[smem:$0x3FAD] =	sst s8  }
0x11: {  	[smem:$0x3FAE] =	sst s9;
	s0 =	simm.s32 @!p0 $0x0  }
0x12: {  	s1 =	sld [smem:$0x3F94];
	s0 =	simm.s32 @p0 $0x1  }
0x13: {  	[smem:$0x3FAF] =	sst s0;
	s0 =	simm.s32 @!p1 $0x0  }
0x14: {  	s2 =	sld [smem:$0x3F93];
	s0 =	simm.s32 @p1 $0x1  }
0x15: {  	[smem:$0x3FB0] =	sst s0;
	s0 =	simm.s32 @!p2 $0x0  }
0x16: {  	s3 =	sld [smem:$0x3FDB];
	s0 =	simm.s32 @p2 $0x1  }
0x17: {  	s4 =	simm.s32 $0x1BF5;
	[smem:$0x3FB2] =	sst s0  }
0x18: {  	s0 =	sld [smem:$0x3F95];
	_ =	swait.ge [sflag:s4], $0x0  }
0x19: {  	s7 =	sld [smem:$0x3F96]  }
0x1a: {  	s8 =	sadd.s32 $0xFFFFE003, lr  }
0x1b: {  	s9 =	sadd.s32 $0xFFFFFEF7, lr;
	s5 =	simm.s32 $0xFFFFFFFF;
	p2 =	slt.u32 s8, $0xFFFFF086  }
0x1c: {  	p1 =	slt.u32 s9, $0xF7A;
	s5 =	simm.s32 @!p2 $0x0  }
0x1d: {  	s5 =	simm.s32 @p1 $0x1;
	p0 =	seq.s32 s7, s2  }
0x1e: {  	s7 =	smul.u32 @!p0 $0xF7A, s2;
	p2 =	seq.s32 @!p0 s5, $0x0  }
0x1f: {  	s9 =	smul.u32 $0xF7A, s1;
	s8 =	simm.s32 @!p0 $0x1BF5;
	p2 =	por !p2, p0  }
0x20: {  	[sflag:s8] =	ssyncset.s32 @!p0 $0xFFFFF086;
	s6 =	sadd.s32 @!p0 s3, s7;
	s7 =	simm.s32 @!p0 $0x108  }
0x21: {  	s3 =	sadd.s32 s3, s9;
	s6 =	sadd.s32 @!p0 $0x88, s6;
	s7 =	simm.s32 @p2 $0x1082  }
0x22: {  	[simem:s7], [sflag:s8] =	dma.local @!p0 [hbm:s6], $0xF7A  }
0x23: {  	s9 =	sor.u32 $0xD0000000, s2;
	s6 =	simm.s32 $0x108;
	_ =	swait.ge @!p0 [sflag:s8], $0x0  }
0x24: {  	s3 =	sadd.s32 $0x88, s3;
	s6 =	simm.s32 @!p1 $0x1082;
	[sflag:s4] =	ssyncset.s32 $0xFFFFF086  }
0x25: {  	[simem:s6], [sflag:s4] =	dma.local [hbm:s3], $0xF7A  }
0x26: {  	[smem:$0x3F96] =	sst s1;
	(tag) =	ssettag s2;
	_ =	strace s9  }
0x27: {  	s1 =	sld [smem:$0x3FA6]  }
0x28: {  	s2 =	sld [smem:$0x3FA7]  }
0x29: {  	s4 =	sld [smem:$0x3FA9]  }
0x2a: {  	p0 =	seq.s32 s5, $0x0;
	s5 =	sld [smem:$0x3FAA]  }
0x2b: {  	s6 =	sld [smem:$0x3FAB]  }
0x2c: {  	s7 =	sld [smem:$0x3FAC]  }
0x2d: {  	s3 =	simm.s32 $0x108;
	s8 =	sld [smem:$0x3FAD]  }
0x2e: {  	s3 =	simm.s32 @!p0 $0x1082;
	s9 =	sld [smem:$0x3FAE]  }
0x2f: {  	lr =	sadd.s32 s0, s3;
	s0 =	sld [smem:$0x3FA5]  }
0x30: {  	s3 =	sld [smem:$0x3FA8]  }
0x31: {  	[smem:$0x3FB1] =	sst s10  }
0x32: {  	s10 =	sld [smem:$0x3FAF];
	_ =	sdelay $0x3  }
0x33: {  	p0 =	seq.s32 s10, $0x1;
	s10 =	sld [smem:$0x3FB1];
	_ =	sdelay $0x3  }
0x34: {  	[smem:$0x3FB1] =	sst s10  }
0x35: {  	s10 =	sld [smem:$0x3FB0];
	_ =	sdelay $0x3  }
0x36: {  	p1 =	seq.s32 s10, $0x1;
	s10 =	sld [smem:$0x3FB1];
	_ =	sdelay $0x3  }
0x37: {  	[smem:$0x3FB1] =	sst s10  }
0x38: {  	s10 =	sld [smem:$0x3FB2]  }
0x39: {  	_ = 	snop;
	(pc) =	sbr.ind lr, $3  }
0x3a: {  	_ = 	snop  }
0x3b: {  	_ = 	snop  }
0x3c: {  	p2 =	seq.s32 s10, $0x1;
	s10 =	sld [smem:$0x3FB1]  }
0x3d: {  	_ =	shalt  }
0x3e: {  	_ =	shalt  }
0x3f: {  	_ =	shalt  }
0x40: {  	_ =	shalt  }
0x41: {  	_ =	shalt  }
0x42: {  	_ =	shalt  }
0x43: {  	_ =	shalt  }
0x44: {  	_ =	shalt  }
0x45: {  	_ =	shalt  }
0x46: {  	_ =	shalt  }
0x47: {  	_ =	shalt  }
0x48: {  	_ =	shalt  }
0x49: {  	_ =	shalt  }
0x4a: {  	_ =	shalt  }
0x4b: {  	_ =	shalt  }
0x4c: {  	_ =	shalt  }
0x4d: {  	_ =	shalt  }
0x4e: {  	_ =	shalt  }
0x4f: {  	_ =	shalt  }
0x50: {  	_ =	shalt  }
0x51: {  	_ =	shalt  }
0x52: {  	_ =	shalt  }
0x53: {  	_ =	shalt  }
0x54: {  	_ =	shalt  }
0x55: {  	_ =	shalt  }
0x56: {  	_ =	shalt  }
0x57: {  	_ =	shalt  }
0x58: {  	_ =	shalt  }
0x59: {  	_ =	shalt  }
0x5a: {  	_ =	shalt  }
0x5b: {  	_ =	shalt  }
0x5c: {  	_ =	shalt  }
0x5d: {  	_ =	shalt  }
0x5e: {  	_ =	shalt  }
0x5f: {  	_ =	shalt  }
0x60: {  	_ =	shalt  }
0x61: {  	_ =	shalt  }
0x62: {  	_ =	shalt  }
0x63: {  	_ =	shalt  }
0x64: {  	_ =	shalt  }
0x65: {  	_ =	shalt  }
0x66: {  	_ =	shalt  }
0x67: {  	_ =	shalt  }
0x68: {  	_ =	shalt  }
0x69: {  	_ =	shalt  }
0x6a: {  	_ =	shalt  }
0x6b: {  	_ =	shalt  }
0x6c: {  	_ =	shalt  }
0x6d: {  	_ =	shalt  }
0x6e: {  	_ =	shalt  }
0x6f: {  	_ =	shalt  }
0x70: {  	_ =	shalt  }
0x71: {  	_ =	shalt  }
0x72: {  	_ =	shalt  }
0x73: {  	_ =	shalt  }
0x74: {  	_ =	shalt  }
0x75: {  	_ =	shalt  }
0x76: {  	_ =	shalt  }
0x77: {  	_ =	shalt  }
0x78: {  	_ =	shalt  }
0x79: {  	_ =	shalt  }
0x7a: {  	_ =	shalt  }
0x7b: {  	_ =	shalt  }
0x7c: {  	_ =	shalt  }
0x7d: {  	_ =	shalt  }
0x7e: {  	_ =	shalt  }
0x7f: {  	_ =	shalt  }
0x80: {  	_ =	shalt  }
0x81: {  	_ =	shalt  }
0x82: {  	_ =	shalt  }
0x83: {  	_ =	shalt  }
0x84: {  	_ =	shalt  }
0x85: {  	_ =	shalt  }
0x86: {  	_ =	shalt  }
0x87: {  	_ =	shalt  }
.Lfunc_end0:
.L_simem_size_0:
called_computation_lowered:
.L_overlay_start_0:
0x88: {  	s2 =	sld [smem:$0x3FD9]  }
0x89: {  	s3 =	sld [smem:$0x3FFE];
	_ =	sdelay $0x1  }
0x8a: {  	s1 =	srdreg.scid  }
0x8b: {  	s0 =	sand.u32 $0x1, s1  }
0x8c: {  	s16 =	sshll.u32 s0, $0xA;
	s2 =	sadd.s32 s3, s2  }
0x8d: {  	s2 =	sadd.s32 s2, s16  }
0x8e: {  	[smem:$0x3FBD] =	sst s2  }
0x8f: {  	_ = 	snop  }
0x90: {  	(tm) =	ssettm $0x1  }
0x91: {  	s17 =	sld [smem:$0x3FFB];
	_ =	sdelay $0x3  }
0x92: {  	_ =	strace s17  }
0x93: {  	s2 =	sld [smem:$0x3FFC];
	_ =	sdelay $0x3  }
0x94: {  	_ =	strace s2  }
0x95: {  	s2 =	sld [smem:$0x3FFD];
	_ =	sdelay $0x3  }
0x96: {  	_ =	strace s2  }
0x97: {  	_ =	strace $0x8FFFFFFF  }
0x98: {  	s18 =	sld [smem:$0x3FDB];
	_ =	sdelay $0x1  }
0x99: {  	s19 =	simm.s32 $_scs_section_size  }
0x9a: {  	s4 =	simm.s32 $_size__tile_overlayer_lowered;
	s5 =	simm.s32 $_tile_overlayer_lowered  }
0x9b: {  	s22 =	simm.s32 $0x1BFF;
	s21 =	sshll.u32 s5, $0x1;
	s2 =	sadd.s32 s19, s18  }
0x9c: {  	s6 =	simm.s32 $0x0;
	s20 =	sshll.u32 s4, $0x1;
	s4 =	sadd.s32 s21, s2  }
0x9d: {  	[timem:s6], [sflag:s22] =	dma.local [hbm:s4], s20  }
0x9e: {  	_ =	swait.ge [sflag:s22], s20  }
0x9f: {  	s3 =	ssub.s32 $0x0, s20;
	[sflag:s22] =	ssyncset.done $0x0  }
0xa0: {  	[sflag:s22] =	ssyncadd.s32 s3;
	_ =	sdelay $0x1  }
0xa1: {  	s23 =	simm.s32 $0x1B8B  }
0xa2: {  	_ =	swait.ge [sflag:s23], $0x1  }
0xa3: {  	[sflag:s23] =	ssyncset.done $0x0  }
0xa4: {  	s25 =	simm.s32 $0x1B8E;
	s24 =	sld [smem:$0x3FFE];
	[sflag:s23] =	ssyncadd.s32 $0xFFFFFFFF  }
0xa5: {  	s26 =	simm.s32 $execute0_lowered;
	[smem:$0x3FD2] =	sst s25  }
0xa6: {  	s4 =	sshll.u32 s26, $0x1;
	_ =	strace $0x80000046;
	[dreg:$0x1] =	wrdreg $0xFFFFFFFF  }
0xa7: {  	s28 =	simm.s32 $_size_execute0_lowered;
	s2 =	sadd.s32 s2, s4;
	[dreg:$0x0] =	wrdreg $0x0  }
0xa8: {  	s4 =	sshll.u32 s28, $0x1;
	[dreg:$0x2] =	wrdreg s2  }
0xa9: {  	[dreg:$0x3] =	wrdreg s4  }
0xaa: {  	[dreg:$0x4] =	wrdreg $0xC0  }
0xab: {  	_ =	task [dreg:s6], $0x5FFFF  }
0xac: {  	[dreg:$0x1] =	wrdreg $0xFFFFFFFF  }
0xad: {  	[dreg:$0x0] =	wrdreg $0x60  }
0xae: {  	[dreg:$0x2] =	wrdreg s24  }
0xaf: {  	[dreg:$0x3] =	wrdreg $0x9  }
0xb0: {  	_ =	task.clear_ibuf [dreg:s6], $0x4FFFF;
	_ =	strace $0x90000046  }
0xb1: {  	s29 =	simm.s32 $0x9;
	_ =	strace $0x80000048  }
0xb2: {  	_ =	swait.ge [sflag:s29], $0x1  }
0xb3: {  	[sflag:s29] =	ssyncadd.s32 $0xFFFFFFFF  }
0xb4: {  	_ =	strace $0x90000048  }
0xb5: {  	_ =	sfence  }
0xb6: {  	s30 =	sld [smem:$0x0];
	_ =	sdelay $0x2  }
0xb7: {  	s31 =	sshll.u32 s1, $0xD;
	s1 =	sshrl.u32 s1, $0x2  }
0xb8: {  	s3 =	sand.u32 $0x4000, s31;
	s1 =	sadd.s32 s1, s30  }
0xb9: {  	s0 =	sor.u32 s3, s0;
	s1 =	sshll.u32 s1, $0x11  }
0xba: {  	s0 =	sor.u32 s1, s0  }
0xbb: {  	s0 =	sadd.s32 $0x8F2B, s0  }
0xbc: {  	[sflag:s0] =	ssyncadd.remote.s32 $0x1  }
0xbd: {  	_ =	sfence.sel $0xFFFF  }
0xbe: {  	[dreg:$0x0] =	wrdreg $0xFFFFFFFF;
	(pc) =	sbr.abs _section_cstart, $3  }
0xbf: {  	[dreg:$0x1] =	wrdreg $0xFFFFFFFF  }
0xc0: {  	_ =	task.clear_ibuf [dreg:s6], $0x2FFFF;
	_ =	strace $0x9FFFFFFF  }
0xc1: {  	(tm) =	ssettm $0x7FFFFFFF  }
tec
execute0_lowered:
.L_overlay_start_1:
0x0: {  	(tag) =	ssettag $0x1  }
0x1: {  	s1 =	srdreg.scid;
	s0 =	stileid.u32  }
0x2: {  	s4 =	rddreg [dreg:$0x0];
	s3 =	sand.u32 $0x1, s1;
	s30 =	sshll.u32 s0, $0x1  }
0x3: {  	s2 =	simm.s32 $0x0;
	s8 =	simm.s32 $0x0;
	s5 =	sor.u32 s3, s30  }
0x4: {  	s1 =	rddreg [dreg:$0x1];
	s3 =	ssub.s32 $0x2, s3;
	s6 =	smul.u32 $0x280, s5  }
0x5: {  	[smem:$0x7FF] =	sst s2;
	s5 =	smul.u32 $0x4E4, s5;
	s7 =	sshrl.u32 s3, $0x1  }
0x6: {  	_ =	strace $0x80000047;
	s31 =	ssub.s32 s3, s7;
	s7 =	simm.s32 $0x1400  }
0x7: {  	s6 =	sadd.s32 s6, s4;
	s4 =	sadd.s32 s5, s4;
	s5 =	smax.u32 s31, $0x1  }
0x8: {  	v0 =	vimm.f32 $0.0e+00;
	v1 =	vimm.f32 $1.000000000e+00;
	s3 =	sadd.s32 $0x3A00, s6;
	s4 =	sadd.s32 $0x8A00, s4;
	s6 =	simm.s32 $0x1  }
.LBB2_1:
0x9: {  	s9 =	simm.s32 $0x40;
	s10 =	simm.s32 $0x0  }
.LBB2_2:
0xa: {  	p0 =	sne.s32 s9, $0x9C40;
	[tilespmem:s10+$0x1400] =	vst v0;
	s10 =	smov.u32 s9;
	s9 =	sadd.s32 $0x40, s9  }
.Ltmp0:
0xb: {  	(pc) =	sbr.rel @p0 .LBB2_2-.Ltmp0, $2  }
0xc: {  	_ =	sdelay $0x2  }
0xd: {  	s10 =	sshra.s32 s10, $0x2  }
0xe: {  	[tilespmem:s10+$0x1400] =	vst v0;
	s9 =	simm.s32 $0x0  }
0xf: {  	[tilespmem:s9], [sflag:$0x1] =	stream.linear.gather [hbm4b:s3+s9], $0x1400, $0x38;
	[tilespmem:$0x3B80] =	vst v63  }
0x10: {  	_ =	swait.ge [sflag:s6], $0x1400  }
0x11: {  	[sflag:s6] =	ssyncset.done $0x0  }
0x12: {  	[sflag:s6] =	ssyncadd.s32 $0xFFFFEC00  }
.LBB2_4:
0x13: {  	s10 =	sshra.s32 s9, $0x2  }
0x14: {  	v2 =	vld [tilespmem:s10+$0x0];
	_ =	sdelay $0x7  }
0x15: {  	[tilespmem:v2+s7+$0x0] =	vst.idx.add.f32.msk $0xffff, v1  }
0x16: {  	v2 =	vld [tilespmem:s10+$0x10];
	_ =	sdelay $0x7  }
0x17: {  	[tilespmem:v2+s7+$0x0] =	vst.idx.add.f32.msk $0xffff, v1  }
0x18: {  	v2 =	vld [tilespmem:s10+$0x20];
	_ =	sdelay $0x7  }
0x19: {  	[tilespmem:v2+s7+$0x0] =	vst.idx.add.f32.msk $0xffff, v1  }
0x1a: {  	v2 =	vld [tilespmem:s10+$0x30];
	_ =	sdelay $0x7  }
0x1b: {  	[tilespmem:v2+s7+$0x0] =	vst.idx.add.f32.msk $0xffff, v1  }
0x1c: {  	v2 =	vld [tilespmem:s10+$0x40];
	_ =	sdelay $0x7  }
0x1d: {  	[tilespmem:v2+s7+$0x0] =	vst.idx.add.f32.msk $0xffff, v1  }
0x1e: {  	v2 =	vld [tilespmem:s10+$0x50];
	_ =	sdelay $0x7  }
0x1f: {  	[tilespmem:v2+s7+$0x0] =	vst.idx.add.f32.msk $0xffff, v1  }
0x20: {  	v2 =	vld [tilespmem:s10+$0x60];
	_ =	sdelay $0x7  }
0x21: {  	[tilespmem:v2+s7+$0x0] =	vst.idx.add.f32.msk $0xffff, v1  }
0x22: {  	v2 =	vld [tilespmem:s10+$0x70];
	_ =	sdelay $0x2  }
0x23: {  	p0 =	sne.s32 s9, $0x4E00  }
.Ltmp1:
0x24: {  	_ = 	snop;
	(pc) =	sbr.rel @p0 .LBB2_4-.Ltmp1, $2  }
0x25: {  	_ =	sdelay $0x2  }
0x26: {  	s9 =	sadd.s32 $0x200, s9;
	[tilespmem:v2+s7+$0x0] =	vst.idx.add.f32.msk $0xffff, v1  }
0x27: {  	s8 =	sadd.s32 $0x1, s8  }
0x28: {  	p0 =	sne.s32 s8, s5  }
.Ltmp2:
0x29: {  	_ = 	snop;
	(pc) =	sbr.rel @p0 .LBB2_1-.Ltmp2, $4  }
0x2a: {  	[hbm4b:s4+s2] =	stream.linear.scatter [tilespmem:s7], [sflag:$0x1], $0x2720, $0x38;
	[tilespmem:$0x3B80] =	vst v63  }
0x2b: {  	_ =	swait.ge [sflag:s6], $0x2720  }
0x2c: {  	[sflag:s6] =	ssyncset.done $0x0  }
0x2d: {  	[sflag:s6] =	ssyncadd.s32 $0xFFFFD8E0  }
0x2e: {  	_ =	sfence.sel $0x180000  }
0x2f: {  	[bflag:$0x0] =	sbarrier.arrive $0xFFFF  }
0x30: {  	p0 =	sne.s32 s0, $0x0;
	_ =	strace $0x90000047  }
0x31: {  	s0 =	sadd.s32 @!p0 $0x100000, s1;
	[bflag:$0x2] =	sbarrier.arrive $0xFFFF  }
0x32: {  	[sflag:s0] =	ssyncadd.tile.s32 @!p0 $0x1;
	_ =	shalt  }
.Lfunc_end2:
_tile_overlayer_lowered:
.L_overlay_start_2:
0x33: {  	(tag) =	ssettag $0x2  }
0x34: {  	s0 =	rddreg [dreg:$0x0];
	s2 =	stileid.u32  }
0x35: {  	s1 =	rddreg [dreg:$0x1];
	p0 =	sne.s32 s2, $0x0  }
0x36: {  	s3 =	rddreg [dreg:$0x2];
	[bflag:$0x3] =	sbarrier.arrive $0xFFFF;
	s2 =	simm.s32 @!p0 $0x1C01  }
0x37: {  	[timem:s3], [sflag:s2] =	dma.local @!p0 [hbm:s0], s1  }
0x38: {  	s0 =	simm.s32 @!p0 $0x1  }
0x39: {  	_ =	swait.ge @!p0 [sflag:s0], s1  }
0x3a: {  	s1 =	ssub.s32 @!p0 $0x0, s1;
	[sflag:s0] =	ssyncset.done @!p0 $0x0  }
0x3b: {  	[sflag:s0] =	ssyncadd.s32 @!p0 s1  }
0x3c: {  	[bflag:$0x3] =	sbarrier.arrive $0xFFFF  }
0x3d: {  	_ =	shalt  }

// kernel: kernel.13.cloned.1.call-start
scs
__scs_entry_jumppad:
0x0: {  	(pc) =	sbr.rel $0x88, $3  }
0x1: {  	(tag) =	ssettag $0x0;
	lr =	simm.s32 $0x1  }
0x2: {  	[smem:$0x3F96] =	sst lr;
	_ =	strace $0xD0000000  }
0x3: {  	_ = 	snop  }
0x4: {  	_ = 	snop  }
0x5: {  	_ = 	snop  }
0x6: {  	_ = 	snop  }
0x7: {  	_ = 	snop  }
__scs_overlays_trampoline_lowered:
0x8: {  	[smem:$0x3FA5] =	sst s0  }
0x9: {  	[smem:$0x3FA6] =	sst s1  }
0xa: {  	[smem:$0x3FA7] =	sst s2  }
0xb: {  	[smem:$0x3FA8] =	sst s3  }
0xc: {  	[smem:$0x3FA9] =	sst s4  }
0xd: {  	[smem:$0x3FAA] =	sst s5  }
0xe: {  	[smem:$0x3FAB] =	sst s6  }
0xf: {  	[smem:$0x3FAC] =	sst s7  }
0x10: {  	[smem:$0x3FAD] =	sst s8  }
0x11: {  	[smem:$0x3FAE] =	sst s9;
	s0 =	simm.s32 @!p0 $0x0  }
0x12: {  	s1 =	sld [smem:$0x3F94];
	s0 =	simm.s32 @p0 $0x1  }
0x13: {  	[smem:$0x3FAF] =	sst s0;
	s0 =	simm.s32 @!p1 $0x0  }
0x14: {  	s2 =	sld [smem:$0x3F93];
	s0 =	simm.s32 @p1 $0x1  }
0x15: {  	[smem:$0x3FB0] =	sst s0;
	s0 =	simm.s32 @!p2 $0x0  }
0x16: {  	s3 =	sld [smem:$0x3FDB];
	s0 =	simm.s32 @p2 $0x1  }
0x17: {  	s4 =	simm.s32 $0x1BF5;
	[smem:$0x3FB2] =	sst s0  }
0x18: {  	s0 =	sld [smem:$0x3F95];
	_ =	swait.ge [sflag:s4], $0x0  }
0x19: {  	s7 =	sld [smem:$0x3F96]  }
0x1a: {  	s8 =	sadd.s32 $0xFFFFE003, lr  }
0x1b: {  	s9 =	sadd.s32 $0xFFFFFEF7, lr;
	s5 =	simm.s32 $0xFFFFFFFF;
	p2 =	slt.u32 s8, $0xFFFFF086  }
0x1c: {  	p1 =	slt.u32 s9, $0xF7A;
	s5 =	simm.s32 @!p2 $0x0  }
0x1d: {  	s5 =	simm.s32 @p1 $0x1;
	p0 =	seq.s32 s7, s2  }
0x1e: {  	s7 =	smul.u32 @!p0 $0xF7A, s2;
	p2 =	seq.s32 @!p0 s5, $0x0  }
0x1f: {  	s9 =	smul.u32 $0xF7A, s1;
	s8 =	simm.s32 @!p0 $0x1BF5;
	p2 =	por !p2, p0  }
0x20: {  	[sflag:s8] =	ssyncset.s32 @!p0 $0xFFFFF086;
	s6 =	sadd.s32 @!p0 s3, s7;
	s7 =	simm.s32 @!p0 $0x108  }
0x21: {  	s3 =	sadd.s32 s3, s9;
	s6 =	sadd.s32 @!p0 $0x88, s6;
	s7 =	simm.s32 @p2 $0x1082  }
0x22: {  	[simem:s7], [sflag:s8] =	dma.local @!p0 [hbm:s6], $0xF7A  }
0x23: {  	s9 =	sor.u32 $0xD0000000, s2;
	s6 =	simm.s32 $0x108;
	_ =	swait.ge @!p0 [sflag:s8], $0x0  }
0x24: {  	s3 =	sadd.s32 $0x88, s3;
	s6 =	simm.s32 @!p1 $0x1082;
	[sflag:s4] =	ssyncset.s32 $0xFFFFF086  }
0x25: {  	[simem:s6], [sflag:s4] =	dma.local [hbm:s3], $0xF7A  }
0x26: {  	[smem:$0x3F96] =	sst s1;
	(tag) =	ssettag s2;
	_ =	strace s9  }
0x27: {  	s1 =	sld [smem:$0x3FA6]  }
0x28: {  	s2 =	sld [smem:$0x3FA7]  }
0x29: {  	s4 =	sld [smem:$0x3FA9]  }
0x2a: {  	p0 =	seq.s32 s5, $0x0;
	s5 =	sld [smem:$0x3FAA]  }
0x2b: {  	s6 =	sld [smem:$0x3FAB]  }
0x2c: {  	s7 =	sld [smem:$0x3FAC]  }
0x2d: {  	s3 =	simm.s32 $0x108;
	s8 =	sld [smem:$0x3FAD]  }
0x2e: {  	s3 =	simm.s32 @!p0 $0x1082;
	s9 =	sld [smem:$0x3FAE]  }
0x2f: {  	lr =	sadd.s32 s0, s3;
	s0 =	sld [smem:$0x3FA5]  }
0x30: {  	s3 =	sld [smem:$0x3FA8]  }
0x31: {  	[smem:$0x3FB1] =	sst s10  }
0x32: {  	s10 =	sld [smem:$0x3FAF];
	_ =	sdelay $0x3  }
0x33: {  	p0 =	seq.s32 s10, $0x1;
	s10 =	sld [smem:$0x3FB1];
	_ =	sdelay $0x3  }
0x34: {  	[smem:$0x3FB1] =	sst s10  }
0x35: {  	s10 =	sld [smem:$0x3FB0];
	_ =	sdelay $0x3  }
0x36: {  	p1 =	seq.s32 s10, $0x1;
	s10 =	sld [smem:$0x3FB1];
	_ =	sdelay $0x3  }
0x37: {  	[smem:$0x3FB1] =	sst s10  }
0x38: {  	s10 =	sld [smem:$0x3FB2]  }
0x39: {  	_ = 	snop;
	(pc) =	sbr.ind lr, $3  }
0x3a: {  	_ = 	snop  }
0x3b: {  	_ = 	snop  }
0x3c: {  	p2 =	seq.s32 s10, $0x1;
	s10 =	sld [smem:$0x3FB1]  }
0x3d: {  	_ =	shalt  }
0x3e: {  	_ =	shalt  }
0x3f: {  	_ =	shalt  }
0x40: {  	_ =	shalt  }
0x41: {  	_ =	shalt  }
0x42: {  	_ =	shalt  }
0x43: {  	_ =	shalt  }
0x44: {  	_ =	shalt  }
0x45: {  	_ =	shalt  }
0x46: {  	_ =	shalt  }
0x47: {  	_ =	shalt  }
0x48: {  	_ =	shalt  }
0x49: {  	_ =	shalt  }
0x4a: {  	_ =	shalt  }
0x4b: {  	_ =	shalt  }
0x4c: {  	_ =	shalt  }
0x4d: {  	_ =	shalt  }
0x4e: {  	_ =	shalt  }
0x4f: {  	_ =	shalt  }
0x50: {  	_ =	shalt  }
0x51: {  	_ =	shalt  }
0x52: {  	_ =	shalt  }
0x53: {  	_ =	shalt  }
0x54: {  	_ =	shalt  }
0x55: {  	_ =	shalt  }
0x56: {  	_ =	shalt  }
0x57: {  	_ =	shalt  }
0x58: {  	_ =	shalt  }
0x59: {  	_ =	shalt  }
0x5a: {  	_ =	shalt  }
0x5b: {  	_ =	shalt  }
0x5c: {  	_ =	shalt  }
0x5d: {  	_ =	shalt  }
0x5e: {  	_ =	shalt  }
0x5f: {  	_ =	shalt  }
0x60: {  	_ =	shalt  }
0x61: {  	_ =	shalt  }
0x62: {  	_ =	shalt  }
0x63: {  	_ =	shalt  }
0x64: {  	_ =	shalt  }
0x65: {  	_ =	shalt  }
0x66: {  	_ =	shalt  }
0x67: {  	_ =	shalt  }
0x68: {  	_ =	shalt  }
0x69: {  	_ =	shalt  }
0x6a: {  	_ =	shalt  }
0x6b: {  	_ =	shalt  }
0x6c: {  	_ =	shalt  }
0x6d: {  	_ =	shalt  }
0x6e: {  	_ =	shalt  }
0x6f: {  	_ =	shalt  }
0x70: {  	_ =	shalt  }
0x71: {  	_ =	shalt  }
0x72: {  	_ =	shalt  }
0x73: {  	_ =	shalt  }
0x74: {  	_ =	shalt  }
0x75: {  	_ =	shalt  }
0x76: {  	_ =	shalt  }
0x77: {  	_ =	shalt  }
0x78: {  	_ =	shalt  }
0x79: {  	_ =	shalt  }
0x7a: {  	_ =	shalt  }
0x7b: {  	_ =	shalt  }
0x7c: {  	_ =	shalt  }
0x7d: {  	_ =	shalt  }
0x7e: {  	_ =	shalt  }
0x7f: {  	_ =	shalt  }
0x80: {  	_ =	shalt  }
0x81: {  	_ =	shalt  }
0x82: {  	_ =	shalt  }
0x83: {  	_ =	shalt  }
0x84: {  	_ =	shalt  }
0x85: {  	_ =	shalt  }
0x86: {  	_ =	shalt  }
0x87: {  	_ =	shalt  }
.Lfunc_end0:
.L_simem_size_0:
called_computation.1_lowered:
.L_overlay_start_0:
0x88: {  	s2 =	sld [smem:$0x3FD9]  }
0x89: {  	s3 =	sld [smem:$0x3FFE];
	_ =	sdelay $0x1  }
0x8a: {  	s1 =	srdreg.scid  }
0x8b: {  	s0 =	sand.u32 $0x1, s1  }
0x8c: {  	s16 =	sshll.u32 s0, $0xA;
	s2 =	sadd.s32 s3, s2  }
0x8d: {  	s2 =	sadd.s32 s2, s16  }
0x8e: {  	[smem:$0x3FBD] =	sst s2  }
0x8f: {  	_ = 	snop  }
0x90: {  	(tm) =	ssettm $0x1  }
0x91: {  	s17 =	sld [smem:$0x3FFB];
	_ =	sdelay $0x3  }
0x92: {  	_ =	strace s17  }
0x93: {  	s2 =	sld [smem:$0x3FFC];
	_ =	sdelay $0x3  }
0x94: {  	_ =	strace s2  }
0x95: {  	s2 =	sld [smem:$0x3FFD];
	_ =	sdelay $0x3  }
0x96: {  	_ =	strace s2  }
0x97: {  	_ =	strace $0x8FFFFFFF  }
0x98: {  	s18 =	sld [smem:$0x3FDB];
	_ =	sdelay $0x1  }
0x99: {  	s19 =	simm.s32 $_scs_section_size  }
0x9a: {  	s4 =	simm.s32 $_size__tile_overlayer_lowered;
	s5 =	simm.s32 $_tile_overlayer_lowered  }
0x9b: {  	s22 =	simm.s32 $0x1BFF;
	s21 =	sshll.u32 s5, $0x1;
	s2 =	sadd.s32 s19, s18  }
0x9c: {  	s6 =	simm.s32 $0x0;
	s20 =	sshll.u32 s4, $0x1;
	s4 =	sadd.s32 s21, s2  }
0x9d: {  	[timem:s6], [sflag:s22] =	dma.local [hbm:s4], s20  }
0x9e: {  	_ =	swait.ge [sflag:s22], s20  }
0x9f: {  	s3 =	ssub.s32 $0x0, s20;
	[sflag:s22] =	ssyncset.done $0x0  }
0xa0: {  	[sflag:s22] =	ssyncadd.s32 s3;
	_ =	sdelay $0x1  }
0xa1: {  	s23 =	simm.s32 $0x1B8B  }
0xa2: {  	_ =	swait.ge [sflag:s23], $0x1  }
0xa3: {  	[sflag:s23] =	ssyncset.done $0x0  }
0xa4: {  	s25 =	simm.s32 $0x1B8E;
	s24 =	sld [smem:$0x3FFE];
	[sflag:s23] =	ssyncadd.s32 $0xFFFFFFFF  }
0xa5: {  	s26 =	simm.s32 $execute0_lowered;
	[smem:$0x3FD2] =	sst s25  }
0xa6: {  	s4 =	sshll.u32 s26, $0x1;
	_ =	strace $0x80000049;
	[dreg:$0x1] =	wrdreg $0xFFFFFFFF  }
0xa7: {  	s28 =	simm.s32 $_size_execute0_lowered;
	s2 =	sadd.s32 s2, s4;
	[dreg:$0x0] =	wrdreg $0x0  }
0xa8: {  	s4 =	sshll.u32 s28, $0x1;
	[dreg:$0x2] =	wrdreg s2  }
0xa9: {  	[dreg:$0x3] =	wrdreg s4  }
0xaa: {  	[dreg:$0x4] =	wrdreg $0xC0  }
0xab: {  	_ =	task [dreg:s6], $0x5FFFF  }
0xac: {  	[dreg:$0x1] =	wrdreg $0xFFFFFFFF  }
0xad: {  	[dreg:$0x0] =	wrdreg $0x60  }
0xae: {  	[dreg:$0x2] =	wrdreg s24  }
0xaf: {  	[dreg:$0x3] =	wrdreg $0xA8000  }
0xb0: {  	[dreg:$0x4] =	wrdreg $0x9  }
0xb1: {  	_ =	task.clear_ibuf [dreg:s6], $0x5FFFF;
	_ =	strace $0x90000049  }
0xb2: {  	s29 =	simm.s32 $0x9;
	_ =	strace $0x8000004B  }
0xb3: {  	_ =	swait.ge [sflag:s29], $0x1  }
0xb4: {  	[sflag:s29] =	ssyncadd.s32 $0xFFFFFFFF  }
0xb5: {  	_ =	strace $0x9000004B  }
0xb6: {  	_ =	sfence  }
0xb7: {  	s30 =	sld [smem:$0x0];
	_ =	sdelay $0x2  }
0xb8: {  	s31 =	sshll.u32 s1, $0xD;
	s1 =	sshrl.u32 s1, $0x2  }
0xb9: {  	s3 =	sand.u32 $0x4000, s31;
	s1 =	sadd.s32 s1, s30  }
0xba: {  	s0 =	sor.u32 s3, s0;
	s1 =	sshll.u32 s1, $0x11  }
0xbb: {  	s0 =	sor.u32 s1, s0  }
0xbc: {  	s0 =	sadd.s32 $0x8F2B, s0  }
0xbd: {  	[sflag:s0] =	ssyncadd.remote.s32 $0x1  }
0xbe: {  	_ =	sfence.sel $0xFFFF  }
0xbf: {  	[dreg:$0x0] =	wrdreg $0xFFFFFFFF;
	(pc) =	sbr.abs _section_cstart, $3  }
0xc0: {  	[dreg:$0x1] =	wrdreg $0xFFFFFFFF  }
0xc1: {  	_ =	task.clear_ibuf [dreg:s6], $0x2FFFF;
	_ =	strace $0x9FFFFFFF  }
0xc2: {  	(tm) =	ssettm $0x7FFFFFFF  }
0xc3: {  	_ =	shalt  }
tec
execute0_lowered:
.L_overlay_start_1:
0x0: {  	(tag) =	ssettag $0x1  }
0x1: {  	s5 =	rddreg [dreg:$0x0]  }
0x2: {  	s2 =	rddreg [dreg:$0x1]  }
0x3: {  	s0 =	srdreg.scid;
	s1 =	rddreg [dreg:$0x2]  }
0x4: {  	s3 =	simm.s32 $0x0;
	s14 =	simm.s32 $0x2800;
	s6 =	sand.u32 $0x1, s0  }
0x5: {  	s15 =	simm.s32 $0x6800;
	s0 =	stileid.u32;
	s4 =	smul.u32 $0x27100, s6  }
0x6: {  	s16 =	simm.s32 $0x1;
	s17 =	simm.s32 $0x1400;
	s7 =	smul.u32 $0x5000, s0  }
0x7: {  	s18 =	simm.s32 $0x2;
	s19 =	simm.s32 $0x2780;
	s8 =	smul.u32 $0x13C000, s6  }
0x8: {  	s20 =	simm.s32 $0x0;
	[smem:$0x7FF] =	sst s3;
	s9 =	smul.u32 $0x13C00, s0  }
0x9: {  	_ =	strace $0x8000004A;
	s28 =	smul.u32 $0x4F000, s0;
	s29 =	ssub.s32 $0x2, s6  }
0xa: {  	s31 =	sshll.u32 s0, $0x6;
	s6 =	sshrl.u32 s29, $0x1;
	s10 =	sadd.s32 s4, s5  }
0xb: {  	s24 =	sshrl.u32 s7, $0x3;
	s25 =	sadd.s32 s9, s8;
	s4 =	sadd.s32 $0x3A00, s5  }
0xc: {  	s30 =	sshrl.u32 s28, $0x2;
	s12 =	ssub.s32 s29, s6;
	s7 =	sshrl.u32 s25, $0x3  }
0xd: {  	s26 =	sadd.s32 s24, s5;
	s13 =	sadd.s32 s30, s2;
	s11 =	sadd.s32 s7, s5  }
0xe: {  	s5 =	sor.u32 $0x1C03, s31;
	s6 =	sadd.s32 $0x12800, s26;
	s7 =	sadd.s32 $0x1C800, s10  }
0xf: {  	s8 =	sadd.s32 $0x12D00, s26;
	s10 =	smax.u32 s12, $0x1;
	s12 =	simm.s32 $0x3  }
0x10: {  	s9 =	sadd.s32 $0x91C00, s11;
	s11 =	sshrl.u32 s13, $0x3;
	s13 =	simm.s32 $0x80  }
.LBB2_1:
0x11: {  	[spmem:s11], [sflag:s5] =	dma.local [hbm:s4], $0x2780  }
0x12: {  	_ =	swait.ge [sflag:s12], $0x2780  }
0x13: {  	[sflag:s12] =	ssyncset.done $0x0  }
0x14: {  	[sflag:s12] =	ssyncadd.s32 $0xFFFFD880  }
0x15: {  	[bflag:$0x0] =	sbarrier.arrive $0xFFFF  }
0x16: {  	[tilespmem:s3], [sflag:$0x3] =	stream.linear.gather [hbm4b:s6+s3], $0x2800, $0x38;
	[tilespmem:$0x1E400] =	vst v63  }
0x17: {  	_ =	swait.ge [sflag:s12], $0x2800  }
0x18: {  	[sflag:s12] =	ssyncset.done $0x0  }
0x19: {  	[sflag:s12] =	ssyncadd.s32 $0xFFFFD800  }
0x1a: {  	[tilespmem:s14], [sflag:$0x1] =	stream.indirect.gather [hbm4b:s7+s13], $0x80, s3, s13, $0xb8;
	[tilespmem:$0x1E400] =	vst v63  }
0x1b: {  	_ = 	snop  }
0x1c: {  	[tilespmem:s15], [sflag:$0x2] =	stream.indirect.gather [hbm4b:s7+s13], $0x80, s13, s13, $0xb8;
	[tilespmem:$0x1E400] =	vst v63  }
0x1d: {  	_ =	swait.ge [sflag:s16], $0x4000  }
0x1e: {  	[sflag:s16] =	ssyncset.done $0x0  }
0x1f: {  	[sflag:s16] =	ssyncadd.s32 $0xFFFFC000  }
0x20: {  	[spmem:s2] =	stream.indirect.scatter.add.f32 [tilespmem:s14], [sflag:$0x3], $0x80, s17, s13, $0xb8;
	[tilespmem:$0x1E400] =	vst v63  }
0x21: {  	_ =	swait.ge [sflag:s12], $0x4000  }
0x22: {  	[sflag:s12] =	ssyncset.done $0x0  }
0x23: {  	s21 =	simm.s32 $0x100;
	[sflag:s12] =	ssyncadd.s32 $0xFFFFC000  }
0x24: {  	[tilespmem:s14], [sflag:$0x1] =	stream.indirect.gather [hbm4b:s7+s13], $0x80, s21, s13, $0xb8;
	[tilespmem:$0x1E400] =	vst v63  }
0x25: {  	_ =	swait.ge [sflag:s18], $0x4000  }
0x26: {  	[sflag:s18] =	ssyncset.done $0x0  }
0x27: {  	s29 =	simm.s32 $0x1480;
	[sflag:s18] =	ssyncadd.s32 $0xFFFFC000  }
0x28: {  	[spmem:s2] =	stream.indirect.scatter.add.f32 [tilespmem:s15], [sflag:$0x3], $0x80, s29, s13, $0xb8;
	[tilespmem:$0x1E400] =	vst v63  }
0x29: {  	_ =	swait.ge [sflag:s12], $0x4000  }
0x2a: {  	[sflag:s12] =	ssyncset.done $0x0  }
0x2b: {  	s30 =	simm.s32 $0x180;
	[sflag:s12] =	ssyncadd.s32 $0xFFFFC000  }
0x2c: {  	[tilespmem:s15], [sflag:$0x2] =	stream.indirect.gather [hbm4b:s7+s13], $0x80, s30, s13, $0xb8;
	[tilespmem:$0x1E400] =	vst v63  }
0x2d: {  	_ =	swait.ge [sflag:s16], $0x4000  }
0x2e: {  	[sflag:s16] =	ssyncset.done $0x0  }
0x2f: {  	s31 =	simm.s32 $0x1500;
	[sflag:s16] =	ssyncadd.s32 $0xFFFFC000  }
0x30: {  	[spmem:s2] =	stream.indirect.scatter.add.f32 [tilespmem:s14], [sflag:$0x3], $0x80, s31, s13, $0xb8;
	[tilespmem:$0x1E400] =	vst v63  }
0x31: {  	_ =	swait.ge [sflag:s12], $0x4000  }
0x32: {  	s22 =	simm.s32 $0xC00;
	s21 =	simm.s32 $0x800;
	[sflag:s12] =	ssyncset.done $0x0  }
.LBB2_2:
0x33: {  	s23 =	sshra.s32 s21, $0x2  }
0x34: {  	[sflag:s12] =	ssyncadd.s32 $0xFFFFC000;
	s21 =	smov.u32 s22;
	s24 =	sadd.s32 $0x400, s22  }
0x35: {  	[tilespmem:s14], [sflag:$0x1] =	stream.indirect.gather [hbm4b:s7+s13], $0x80, s23, s13, $0xb8;
	[tilespmem:$0x1E400] =	vst v63  }
0x36: {  	p0 =	sne.s32 s22, $0x4C00;
	_ =	swait.ge [sflag:s18], $0x4000  }
0x37: {  	[sflag:s18] =	ssyncset.done $0x0  }
0x38: {  	s22 =	sadd.s32 $0x1380, s23;
	[sflag:s18] =	ssyncadd.s32 $0xFFFFC000  }
0x39: {  	[spmem:s2] =	stream.indirect.scatter.add.f32 [tilespmem:s15], [sflag:$0x3], $0x80, s22, s13, $0xb8;
	[tilespmem:$0x1E400] =	vst v63  }
0x3a: {  	_ =	swait.ge [sflag:s12], $0x4000  }
0x3b: {  	[sflag:s12] =	ssyncset.done $0x0  }
0x3c: {  	s22 =	sadd.s32 $0x80, s23;
	[sflag:s12] =	ssyncadd.s32 $0xFFFFC000  }
0x3d: {  	[tilespmem:s15], [sflag:$0x2] =	stream.indirect.gather [hbm4b:s7+s13], $0x80, s22, s13, $0xb8;
	[tilespmem:$0x1E400] =	vst v63  }
0x3e: {  	_ =	swait.ge [sflag:s16], $0x4000  }
.Ltmp0:
0x3f: {  	[sflag:s16] =	ssyncset.done $0x0;
	(pc) =	sbr.rel @p0 .LBB2_2-.Ltmp0, $4  }
0x40: {  	s22 =	sadd.s32 $0x1400, s23;
	[sflag:s16] =	ssyncadd.s32 $0xFFFFC000  }
0x41: {  	[spmem:s2] =	stream.indirect.scatter.add.f32 [tilespmem:s14], [sflag:$0x3], $0x80, s22, s13, $0xb8;
	[tilespmem:$0x1E400] =	vst v63  }
0x42: {  	_ =	swait.ge [sflag:s12], $0x4000  }
0x43: {  	s22 =	smov.u32 s24;
	[sflag:s12] =	ssyncset.done $0x0  }
0x44: {  	s21 =	sshra.s32 s21, $0x2;
	[sflag:s12] =	ssyncadd.s32 $0xFFFFC000  }
0x45: {  	[tilespmem:s14], [sflag:$0x1] =	stream.indirect.gather [hbm4b:s7+s13], $0x80, s21, s13, $0xb8;
	[tilespmem:$0x1E400] =	vst v63  }
0x46: {  	_ =	swait.ge [sflag:s18], $0x4000  }
0x47: {  	[sflag:s18] =	ssyncset.done $0x0  }
0x48: {  	s22 =	sadd.s32 $0x1380, s21;
	[sflag:s18] =	ssyncadd.s32 $0xFFFFC000  }
0x49: {  	[spmem:s2] =	stream.indirect.scatter.add.f32 [tilespmem:s15], [sflag:$0x3], $0x80, s22, s13, $0xb8;
	[tilespmem:$0x1E400] =	vst v63  }
0x4a: {  	_ =	swait.ge [sflag:s12], $0x4000  }
0x4b: {  	[sflag:s12] =	ssyncset.done $0x0  }
0x4c: {  	s26 =	sadd.s32 $0x80, s21;
	[sflag:s12] =	ssyncadd.s32 $0xFFFFC000  }
0x4d: {  	[tilespmem:s15], [sflag:$0x2] =	stream.indirect.gather [hbm4b:s7+s13], $0x80, s26, s13, $0xb8;
	[tilespmem:$0x1E400] =	vst v63  }
0x4e: {  	_ =	swait.ge [sflag:s16], $0x4000  }
0x4f: {  	[sflag:s16] =	ssyncset.done $0x0  }
0x50: {  	s21 =	sadd.s32 $0x1400, s21;
	[sflag:s16] =	ssyncadd.s32 $0xFFFFC000  }
0x51: {  	[spmem:s2] =	stream.indirect.scatter.add.f32 [tilespmem:s14], [sflag:$0x3], $0x80, s21, s13, $0xb8;
	[tilespmem:$0x1E400] =	vst v63  }
0x52: {  	_ =	swait.ge [sflag:s12], $0x4000  }
0x53: {  	[sflag:s12] =	ssyncset.done $0x0  }
0x54: {  	[sflag:s12] =	ssyncadd.s32 $0xFFFFC000  }
0x55: {  	_ =	swait.ge [sflag:s18], $0x4000  }
0x56: {  	[sflag:s18] =	ssyncset.done $0x0  }
0x57: {  	[sflag:s18] =	ssyncadd.s32 $0xFFFFC000  }
0x58: {  	[spmem:s2] =	stream.indirect.scatter.add.f32 [tilespmem:s15], [sflag:$0x3], $0x80, s19, s13, $0xb8;
	[tilespmem:$0x1E400] =	vst v63  }
0x59: {  	_ =	swait.ge [sflag:s12], $0x4000  }
0x5a: {  	[sflag:s12] =	ssyncset.done $0x0  }
0x5b: {  	[sflag:s12] =	ssyncadd.s32 $0xFFFFC000  }
0x5c: {  	[tilespmem:s3], [sflag:$0x3] =	stream.linear.gather [hbm4b:s8+s3], $0x2800, $0x38;
	[tilespmem:$0x1E400] =	vst v63  }
0x5d: {  	_ =	swait.ge [sflag:s12], $0x2800  }
0x5e: {  	[sflag:s12] =	ssyncset.done $0x0  }
0x5f: {  	[sflag:s12] =	ssyncadd.s32 $0xFFFFD800  }
0x60: {  	[tilespmem:s14], [sflag:$0x1] =	stream.indirect.gather [hbm4b:s7+s13], $0x80, s3, s13, $0xb8;
	[tilespmem:$0x1E400] =	vst v63  }
0x61: {  	_ = 	snop  }
0x62: {  	[tilespmem:s15], [sflag:$0x2] =	stream.indirect.gather [hbm4b:s7+s13], $0x80, s13, s13, $0xb8;
	[tilespmem:$0x1E400] =	vst v63  }
0x63: {  	_ =	swait.ge [sflag:s16], $0x4000  }
0x64: {  	[sflag:s16] =	ssyncset.done $0x0  }
0x65: {  	[sflag:s16] =	ssyncadd.s32 $0xFFFFC000  }
0x66: {  	[spmem:s2] =	stream.indirect.scatter.add.f32 [tilespmem:s14], [sflag:$0x3], $0x80, s17, s13, $0xb8;
	[tilespmem:$0x1E400] =	vst v63  }
0x67: {  	_ =	swait.ge [sflag:s12], $0x4000  }
0x68: {  	[sflag:s12] =	ssyncset.done $0x0  }
0x69: {  	s28 =	simm.s32 $0x100;
	[sflag:s12] =	ssyncadd.s32 $0xFFFFC000  }
0x6a: {  	[tilespmem:s14], [sflag:$0x1] =	stream.indirect.gather [hbm4b:s7+s13], $0x80, s28, s13, $0xb8;
	[tilespmem:$0x1E400] =	vst v63  }
0x6b: {  	_ =	swait.ge [sflag:s18], $0x4000  }
0x6c: {  	[sflag:s18] =	ssyncset.done $0x0  }
0x6d: {  	s29 =	simm.s32 $0x1480;
	[sflag:s18] =	ssyncadd.s32 $0xFFFFC000  }
0x6e: {  	[spmem:s2] =	stream.indirect.scatter.add.f32 [tilespmem:s15], [sflag:$0x3], $0x80, s29, s13, $0xb8;
	[tilespmem:$0x1E400] =	vst v63  }
0x6f: {  	_ =	swait.ge [sflag:s12], $0x4000  }
0x70: {  	[sflag:s12] =	ssyncset.done $0x0  }
0x71: {  	s30 =	simm.s32 $0x180;
	[sflag:s12] =	ssyncadd.s32 $0xFFFFC000  }
0x72: {  	[tilespmem:s15], [sflag:$0x2] =	stream.indirect.gather [hbm4b:s7+s13], $0x80, s30, s13, $0xb8;
	[tilespmem:$0x1E400] =	vst v63  }
0x73: {  	_ =	swait.ge [sflag:s16], $0x4000  }
0x74: {  	[sflag:s16] =	ssyncset.done $0x0  }
0x75: {  	s31 =	simm.s32 $0x1500;
	[sflag:s16] =	ssyncadd.s32 $0xFFFFC000  }
0x76: {  	[spmem:s2] =	stream.indirect.scatter.add.f32 [tilespmem:s14], [sflag:$0x3], $0x80, s31, s13, $0xb8;
	[tilespmem:$0x1E400] =	vst v63  }
0x77: {  	_ =	swait.ge [sflag:s12], $0x4000  }
0x78: {  	s22 =	simm.s32 $0xC00;
	s21 =	simm.s32 $0x800;
	[sflag:s12] =	ssyncset.done $0x0  }
.LBB2_4:
0x79: {  	s23 =	sshra.s32 s21, $0x2  }
0x7a: {  	[sflag:s12] =	ssyncadd.s32 $0xFFFFC000;
	s21 =	smov.u32 s22;
	s24 =	sadd.s32 $0x400, s22  }
0x7b: {  	[tilespmem:s14], [sflag:$0x1] =	stream.indirect.gather [hbm4b:s7+s13], $0x80, s23, s13, $0xb8;
	[tilespmem:$0x1E400] =	vst v63  }
0x7c: {  	p0 =	sne.s32 s22, $0x4C00;
	_ =	swait.ge [sflag:s18], $0x4000  }
0x7d: {  	[sflag:s18] =	ssyncset.done $0x0  }
0x7e: {  	s22 =	sadd.s32 $0x1380, s23;
	[sflag:s18] =	ssyncadd.s32 $0xFFFFC000  }
0x7f: {  	[spmem:s2] =	stream.indirect.scatter.add.f32 [tilespmem:s15], [sflag:$0x3], $0x80, s22, s13, $0xb8;
	[tilespmem:$0x1E400] =	vst v63  }
0x80: {  	_ =	swait.ge [sflag:s12], $0x4000  }
0x81: {  	[sflag:s12] =	ssyncset.done $0x0  }
0x82: {  	s22 =	sadd.s32 $0x80, s23;
	[sflag:s12] =	ssyncadd.s32 $0xFFFFC000  }
0x83: {  	[tilespmem:s15], [sflag:$0x2] =	stream.indirect.gather [hbm4b:s7+s13], $0x80, s22, s13, $0xb8;
	[tilespmem:$0x1E400] =	vst v63  }
0x84: {  	_ =	swait.ge [sflag:s16], $0x4000  }
.Ltmp1:
0x85: {  	[sflag:s16] =	ssyncset.done $0x0;
	(pc) =	sbr.rel @p0 .LBB2_4-.Ltmp1, $4  }
0x86: {  	s22 =	sadd.s32 $0x1400, s23;
	[sflag:s16] =	ssyncadd.s32 $0xFFFFC000  }
0x87: {  	[spmem:s2] =	stream.indirect.scatter.add.f32 [tilespmem:s14], [sflag:$0x3], $0x80, s22, s13, $0xb8;
	[tilespmem:$0x1E400] =	vst v63  }
0x88: {  	_ =	swait.ge [sflag:s12], $0x4000  }
0x89: {  	s22 =	smov.u32 s24;
	[sflag:s12] =	ssyncset.done $0x0  }
0x8a: {  	s21 =	sshra.s32 s21, $0x2;
	[sflag:s12] =	ssyncadd.s32 $0xFFFFC000  }
0x8b: {  	[tilespmem:s14], [sflag:$0x1] =	stream.indirect.gather [hbm4b:s7+s13], $0x80, s21, s13, $0xb8;
	[tilespmem:$0x1E400] =	vst v63  }
0x8c: {  	_ =	swait.ge [sflag:s18], $0x4000  }
0x8d: {  	[sflag:s18] =	ssyncset.done $0x0  }
0x8e: {  	s22 =	sadd.s32 $0x1380, s21;
	[sflag:s18] =	ssyncadd.s32 $0xFFFFC000  }
0x8f: {  	[spmem:s2] =	stream.indirect.scatter.add.f32 [tilespmem:s15], [sflag:$0x3], $0x80, s22, s13, $0xb8;
	[tilespmem:$0x1E400] =	vst v63  }
0x90: {  	_ =	swait.ge [sflag:s12], $0x4000  }
0x91: {  	[sflag:s12] =	ssyncset.done $0x0  }
0x92: {  	s31 =	sadd.s32 $0x80, s21;
	[sflag:s12] =	ssyncadd.s32 $0xFFFFC000  }
0x93: {  	[tilespmem:s15], [sflag:$0x2] =	stream.indirect.gather [hbm4b:s7+s13], $0x80, s31, s13, $0xb8;
	[tilespmem:$0x1E400] =	vst v63  }
0x94: {  	_ =	swait.ge [sflag:s16], $0x4000  }
0x95: {  	[sflag:s16] =	ssyncset.done $0x0  }
0x96: {  	s21 =	sadd.s32 $0x1400, s21;
	[sflag:s16] =	ssyncadd.s32 $0xFFFFC000  }
0x97: {  	[spmem:s2] =	stream.indirect.scatter.add.f32 [tilespmem:s14], [sflag:$0x3], $0x80, s21, s13, $0xb8;
	[tilespmem:$0x1E400] =	vst v63  }
0x98: {  	_ =	swait.ge [sflag:s12], $0x4000  }
0x99: {  	[sflag:s12] =	ssyncset.done $0x0  }
0x9a: {  	[sflag:s12] =	ssyncadd.s32 $0xFFFFC000  }
0x9b: {  	_ =	swait.ge [sflag:s18], $0x4000  }
0x9c: {  	[sflag:s18] =	ssyncset.done $0x0  }
0x9d: {  	[sflag:s18] =	ssyncadd.s32 $0xFFFFC000  }
0x9e: {  	[spmem:s2] =	stream.indirect.scatter.add.f32 [tilespmem:s15], [sflag:$0x3], $0x80, s19, s13, $0xb8;
	[tilespmem:$0x1E400] =	vst v63  }
0x9f: {  	_ =	swait.ge [sflag:s12], $0x4000  }
0xa0: {  	s20 =	sadd.s32 $0x1, s20;
	[sflag:s12] =	ssyncset.done $0x0  }
0xa1: {  	p0 =	sne.s32 s20, s10;
	[sflag:s12] =	ssyncadd.s32 $0xFFFFC000  }
.Ltmp2:
0xa2: {  	[bflag:$0x0] =	sbarrier.arrive $0xFFFF;
	(pc) =	sbr.rel @p0 .LBB2_1-.Ltmp2, $4  }
0xa3: {  	[hbm:s9], [sflag:s5] =	dma.local [spmem:s11], $0x2780  }
0xa4: {  	_ =	swait.ge [sflag:s12], $0x2780  }
0xa5: {  	[sflag:s12] =	ssyncset.done $0x0  }
0xa6: {  	[sflag:s12] =	ssyncadd.s32 $0xFFFFD880  }
0xa7: {  	_ =	sfence.sel $0x180000  }
0xa8: {  	[bflag:$0x0] =	sbarrier.arrive $0xFFFF  }
0xa9: {  	p0 =	sne.s32 s0, $0x0;
	_ =	strace $0x9000004A  }
0xaa: {  	s0 =	sadd.s32 @!p0 $0x100000, s1;
	[bflag:$0x2] =	sbarrier.arrive $0xFFFF  }
0xab: {  	[sflag:s0] =	ssyncadd.tile.s32 @!p0 $0x1;
	_ =	shalt  }
.Lfunc_end2:
_tile_overlayer_lowered:
.L_overlay_start_2:
0xac: {  	(tag) =	ssettag $0x2  }
0xad: {  	s0 =	rddreg [dreg:$0x0];
	s2 =	stileid.u32  }
0xae: {  	s1 =	rddreg [dreg:$0x1];
	p0 =	sne.s32 s2, $0x0  }
0xaf: {  	s3 =	rddreg [dreg:$0x2];
	[bflag:$0x3] =	sbarrier.arrive $0xFFFF;
	s2 =	simm.s32 @!p0 $0x1C03  }
0xb0: {  	[timem:s3], [sflag:s2] =	dma.local @!p0 [hbm:s0], s1  }
0xb1: {  	s0 =	simm.s32 @!p0 $0x3  }
0xb2: {  	_ =	swait.ge @!p0 [sflag:s0], s1  }
0xb3: {  	s1 =	ssub.s32 @!p0 $0x0, s1;
	[sflag:s0] =	ssyncset.done @!p0 $0x0  }
0xb4: {  	[sflag:s0] =	ssyncadd.s32 @!p0 s1  }
0xb5: {  	[bflag:$0x3] =	sbarrier.arrive $0xFFFF  }
0xb6: {  	_ =	shalt  }

// kernel: kernel.16.cloned.1.call-start
scs
__scs_entry_jumppad:
0x0: {  	(pc) =	sbr.rel $0x88, $3  }
0x1: {  	(tag) =	ssettag $0x0;
	lr =	simm.s32 $0x1  }
0x2: {  	[smem:$0x3F96] =	sst lr;
	_ =	strace $0xD0000000  }
0x3: {  	_ = 	snop  }
0x4: {  	_ = 	snop  }
0x5: {  	_ = 	snop  }
0x6: {  	_ = 	snop  }
0x7: {  	_ = 	snop  }
__scs_overlays_trampoline_lowered:
0x8: {  	[smem:$0x3FA5] =	sst s0  }
0x9: {  	[smem:$0x3FA6] =	sst s1  }
0xa: {  	[smem:$0x3FA7] =	sst s2  }
0xb: {  	[smem:$0x3FA8] =	sst s3  }
0xc: {  	[smem:$0x3FA9] =	sst s4  }
0xd: {  	[smem:$0x3FAA] =	sst s5  }
0xe: {  	[smem:$0x3FAB] =	sst s6  }
0xf: {  	[smem:$0x3FAC] =	sst s7  }
0x10: {  	[smem:$0x3FAD] =	sst s8  }
0x11: {  	[smem:$0x3FAE] =	sst s9;
	s0 =	simm.s32 @!p0 $0x0  }
0x12: {  	s1 =	sld [smem:$0x3F94];
	s0 =	simm.s32 @p0 $0x1  }
0x13: {  	[smem:$0x3FAF] =	sst s0;
	s0 =	simm.s32 @!p1 $0x0  }
0x14: {  	s2 =	sld [smem:$0x3F93];
	s0 =	simm.s32 @p1 $0x1  }
0x15: {  	[smem:$0x3FB0] =	sst s0;
	s0 =	simm.s32 @!p2 $0x0  }
0x16: {  	s3 =	sld [smem:$0x3FDB];
	s0 =	simm.s32 @p2 $0x1  }
0x17: {  	s4 =	simm.s32 $0x1BF5;
	[smem:$0x3FB2] =	sst s0  }
0x18: {  	s0 =	sld [smem:$0x3F95];
	_ =	swait.ge [sflag:s4], $0x0  }
0x19: {  	s7 =	sld [smem:$0x3F96]  }
0x1a: {  	s8 =	sadd.s32 $0xFFFFE003, lr  }
0x1b: {  	s9 =	sadd.s32 $0xFFFFFEF7, lr;
	s5 =	simm.s32 $0xFFFFFFFF;
	p2 =	slt.u32 s8, $0xFFFFF086  }
0x1c: {  	p1 =	slt.u32 s9, $0xF7A;
	s5 =	simm.s32 @!p2 $0x0  }
0x1d: {  	s5 =	simm.s32 @p1 $0x1;
	p0 =	seq.s32 s7, s2  }
0x1e: {  	s7 =	smul.u32 @!p0 $0xF7A, s2;
	p2 =	seq.s32 @!p0 s5, $0x0  }
0x1f: {  	s9 =	smul.u32 $0xF7A, s1;
	s8 =	simm.s32 @!p0 $0x1BF5;
	p2 =	por !p2, p0  }
0x20: {  	[sflag:s8] =	ssyncset.s32 @!p0 $0xFFFFF086;
	s6 =	sadd.s32 @!p0 s3, s7;
	s7 =	simm.s32 @!p0 $0x108  }
0x21: {  	s3 =	sadd.s32 s3, s9;
	s6 =	sadd.s32 @!p0 $0x88, s6;
	s7 =	simm.s32 @p2 $0x1082  }
0x22: {  	[simem:s7], [sflag:s8] =	dma.local @!p0 [hbm:s6], $0xF7A  }
0x23: {  	s9 =	sor.u32 $0xD0000000, s2;
	s6 =	simm.s32 $0x108;
	_ =	swait.ge @!p0 [sflag:s8], $0x0  }
0x24: {  	s3 =	sadd.s32 $0x88, s3;
	s6 =	simm.s32 @!p1 $0x1082;
	[sflag:s4] =	ssyncset.s32 $0xFFFFF086  }
0x25: {  	[simem:s6], [sflag:s4] =	dma.local [hbm:s3], $0xF7A  }
0x26: {  	[smem:$0x3F96] =	sst s1;
	(tag) =	ssettag s2;
	_ =	strace s9  }
0x27: {  	s1 =	sld [smem:$0x3FA6]  }
0x28: {  	s2 =	sld [smem:$0x3FA7]  }
0x29: {  	s4 =	sld [smem:$0x3FA9]  }
0x2a: {  	p0 =	seq.s32 s5, $0x0;
	s5 =	sld [smem:$0x3FAA]  }
0x2b: {  	s6 =	sld [smem:$0x3FAB]  }
0x2c: {  	s7 =	sld [smem:$0x3FAC]  }
0x2d: {  	s3 =	simm.s32 $0x108;
	s8 =	sld [smem:$0x3FAD]  }
0x2e: {  	s3 =	simm.s32 @!p0 $0x1082;
	s9 =	sld [smem:$0x3FAE]  }
0x2f: {  	lr =	sadd.s32 s0, s3;
	s0 =	sld [smem:$0x3FA5]  }
0x30: {  	s3 =	sld [smem:$0x3FA8]  }
0x31: {  	[smem:$0x3FB1] =	sst s10  }
0x32: {  	s10 =	sld [smem:$0x3FAF];
	_ =	sdelay $0x3  }
0x33: {  	p0 =	seq.s32 s10, $0x1;
	s10 =	sld [smem:$0x3FB1];
	_ =	sdelay $0x3  }
0x34: {  	[smem:$0x3FB1] =	sst s10  }
0x35: {  	s10 =	sld [smem:$0x3FB0];
	_ =	sdelay $0x3  }
0x36: {  	p1 =	seq.s32 s10, $0x1;
	s10 =	sld [smem:$0x3FB1];
	_ =	sdelay $0x3  }
0x37: {  	[smem:$0x3FB1] =	sst s10  }
0x38: {  	s10 =	sld [smem:$0x3FB2]  }
0x39: {  	_ = 	snop;
	(pc) =	sbr.ind lr, $3  }
0x3a: {  	_ = 	snop  }
0x3b: {  	_ = 	snop  }
0x3c: {  	p2 =	seq.s32 s10, $0x1;
	s10 =	sld [smem:$0x3FB1]  }
0x3d: {  	_ =	shalt  }
0x3e: {  	_ =	shalt  }
0x3f: {  	_ =	shalt  }
0x40: {  	_ =	shalt  }
0x41: {  	_ =	shalt  }
0x42: {  	_ =	shalt  }
0x43: {  	_ =	shalt  }
0x44: {  	_ =	shalt  }
0x45: {  	_ =	shalt  }
0x46: {  	_ =	shalt  }
0x47: {  	_ =	shalt  }
0x48: {  	_ =	shalt  }
0x49: {  	_ =	shalt  }
0x4a: {  	_ =	shalt  }
0x4b: {  	_ =	shalt  }
0x4c: {  	_ =	shalt  }
0x4d: {  	_ =	shalt  }
0x4e: {  	_ =	shalt  }
0x4f: {  	_ =	shalt  }
0x50: {  	_ =	shalt  }
0x51: {  	_ =	shalt  }
0x52: {  	_ =	shalt  }
0x53: {  	_ =	shalt  }
0x54: {  	_ =	shalt  }
0x55: {  	_ =	shalt  }
0x56: {  	_ =	shalt  }
0x57: {  	_ =	shalt  }
0x58: {  	_ =	shalt  }
0x59: {  	_ =	shalt  }
0x5a: {  	_ =	shalt  }
0x5b: {  	_ =	shalt  }
0x5c: {  	_ =	shalt  }
0x5d: {  	_ =	shalt  }
0x5e: {  	_ =	shalt  }
0x5f: {  	_ =	shalt  }
0x60: {  	_ =	shalt  }
0x61: {  	_ =	shalt  }
0x62: {  	_ =	shalt  }
0x63: {  	_ =	shalt  }
0x64: {  	_ =	shalt  }
0x65: {  	_ =	shalt  }
0x66: {  	_ =	shalt  }
0x67: {  	_ =	shalt  }
0x68: {  	_ =	shalt  }
0x69: {  	_ =	shalt  }
0x6a: {  	_ =	shalt  }
0x6b: {  	_ =	shalt  }
0x6c: {  	_ =	shalt  }
0x6d: {  	_ =	shalt  }
0x6e: {  	_ =	shalt  }
0x6f: {  	_ =	shalt  }
0x70: {  	_ =	shalt  }
0x71: {  	_ =	shalt  }
0x72: {  	_ =	shalt  }
0x73: {  	_ =	shalt  }
0x74: {  	_ =	shalt  }
0x75: {  	_ =	shalt  }
0x76: {  	_ =	shalt  }
0x77: {  	_ =	shalt  }
0x78: {  	_ =	shalt  }
0x79: {  	_ =	shalt  }
0x7a: {  	_ =	shalt  }
0x7b: {  	_ =	shalt  }
0x7c: {  	_ =	shalt  }
0x7d: {  	_ =	shalt  }
0x7e: {  	_ =	shalt  }
0x7f: {  	_ =	shalt  }
0x80: {  	_ =	shalt  }
0x81: {  	_ =	shalt  }
0x82: {  	_ =	shalt  }
0x83: {  	_ =	shalt  }
0x84: {  	_ =	shalt  }
0x85: {  	_ =	shalt  }
0x86: {  	_ =	shalt  }
0x87: {  	_ =	shalt  }
.Lfunc_end0:
.L_simem_size_0:
called_computation.2_lowered:
.L_overlay_start_0:
0x88: {  	s2 =	sld [smem:$0x3FD9]  }
0x89: {  	s3 =	sld [smem:$0x3FFE];
	_ =	sdelay $0x1  }
0x8a: {  	s1 =	srdreg.scid  }
0x8b: {  	s0 =	sand.u32 $0x1, s1  }
0x8c: {  	s16 =	sshll.u32 s0, $0xA;
	s2 =	sadd.s32 s3, s2  }
0x8d: {  	s2 =	sadd.s32 s2, s16  }
0x8e: {  	[smem:$0x3FBD] =	sst s2  }
0x8f: {  	_ = 	snop  }
0x90: {  	(tm) =	ssettm $0x1  }
0x91: {  	s17 =	sld [smem:$0x3FFB];
	_ =	sdelay $0x3  }
0x92: {  	_ =	strace s17  }
0x93: {  	s2 =	sld [smem:$0x3FFC];
	_ =	sdelay $0x3  }
0x94: {  	_ =	strace s2  }
0x95: {  	s2 =	sld [smem:$0x3FFD];
	_ =	sdelay $0x3  }
0x96: {  	_ =	strace s2  }
0x97: {  	_ =	strace $0x8FFFFFFF  }
0x98: {  	s18 =	sld [smem:$0x3FDB];
	_ =	sdelay $0x1  }
0x99: {  	s19 =	simm.s32 $_scs_section_size  }
0x9a: {  	s4 =	simm.s32 $_size__tile_overlayer_lowered;
	s5 =	simm.s32 $_tile_overlayer_lowered  }
0x9b: {  	s22 =	simm.s32 $0x1BFF;
	s21 =	sshll.u32 s5, $0x1;
	s2 =	sadd.s32 s19, s18  }
0x9c: {  	s6 =	simm.s32 $0x0;
	s20 =	sshll.u32 s4, $0x1;
	s4 =	sadd.s32 s21, s2  }
0x9d: {  	[timem:s6], [sflag:s22] =	dma.local [hbm:s4], s20  }
0x9e: {  	_ =	swait.ge [sflag:s22], s20  }
0x9f: {  	s3 =	ssub.s32 $0x0, s20;
	[sflag:s22] =	ssyncset.done $0x0  }
0xa0: {  	[sflag:s22] =	ssyncadd.s32 s3;
	_ =	sdelay $0x1  }
0xa1: {  	s23 =	simm.s32 $0x1B8B  }
0xa2: {  	_ =	swait.ge [sflag:s23], $0x1  }
0xa3: {  	[sflag:s23] =	ssyncset.done $0x0  }
0xa4: {  	s25 =	simm.s32 $0x1B8E;
	s24 =	sld [smem:$0x3FFE];
	[sflag:s23] =	ssyncadd.s32 $0xFFFFFFFF  }
0xa5: {  	s26 =	simm.s32 $execute0_lowered;
	[smem:$0x3FD2] =	sst s25  }
0xa6: {  	s4 =	sshll.u32 s26, $0x1;
	_ =	strace $0x8000004C;
	[dreg:$0x1] =	wrdreg $0xFFFFFFFF  }
0xa7: {  	s28 =	simm.s32 $_size_execute0_lowered;
	s2 =	sadd.s32 s2, s4;
	[dreg:$0x0] =	wrdreg $0x0  }
0xa8: {  	s4 =	sshll.u32 s28, $0x1;
	[dreg:$0x2] =	wrdreg s2  }
0xa9: {  	[dreg:$0x3] =	wrdreg s4  }
0xaa: {  	[dreg:$0x4] =	wrdreg $0xC0  }
0xab: {  	_ =	task [dreg:s6], $0x5FFFF  }
0xac: {  	[dreg:$0x1] =	wrdreg $0xFFFFFFFF  }
0xad: {  	[dreg:$0x0] =	wrdreg $0x60  }
0xae: {  	[dreg:$0x2] =	wrdreg s24  }
0xaf: {  	[dreg:$0x3] =	wrdreg $0xA8000  }
0xb0: {  	[dreg:$0x4] =	wrdreg $0x9  }
0xb1: {  	_ =	task.clear_ibuf [dreg:s6], $0x5FFFF;
	_ =	strace $0x9000004C  }
0xb2: {  	s29 =	simm.s32 $0x9;
	_ =	strace $0x8000004E  }
0xb3: {  	_ =	swait.ge [sflag:s29], $0x1  }
0xb4: {  	[sflag:s29] =	ssyncadd.s32 $0xFFFFFFFF  }
0xb5: {  	_ =	strace $0x9000004E  }
0xb6: {  	_ =	sfence  }
0xb7: {  	s30 =	sld [smem:$0x0];
	_ =	sdelay $0x2  }
0xb8: {  	s31 =	sshll.u32 s1, $0xD;
	s1 =	sshrl.u32 s1, $0x2  }
0xb9: {  	s3 =	sand.u32 $0x4000, s31;
	s1 =	sadd.s32 s1, s30  }
0xba: {  	s0 =	sor.u32 s3, s0;
	s1 =	sshll.u32 s1, $0x11  }
0xbb: {  	s0 =	sor.u32 s1, s0  }
0xbc: {  	s0 =	sadd.s32 $0x8F2B, s0  }
0xbd: {  	[sflag:s0] =	ssyncadd.remote.s32 $0x1  }
0xbe: {  	_ =	sfence.sel $0xFFFF  }
0xbf: {  	[dreg:$0x0] =	wrdreg $0xFFFFFFFF;
	(pc) =	sbr.abs _section_cstart, $3  }
0xc0: {  	[dreg:$0x1] =	wrdreg $0xFFFFFFFF  }
0xc1: {  	_ =	task.clear_ibuf [dreg:s6], $0x2FFFF;
	_ =	strace $0x9FFFFFFF  }
0xc2: {  	(tm) =	ssettm $0x7FFFFFFF  }
0xc3: {  	_ =	shalt  }
tec
execute0_lowered:
.L_overlay_start_1:
0x0: {  	(tag) =	ssettag $0x1  }
0x1: {  	s1 =	srdreg.scid  }
0x2: {  	s0 =	stileid.u32;
	s6 =	rddreg [dreg:$0x0]  }
0x3: {  	s2 =	rddreg [dreg:$0x1];
	s3 =	simm.s32 $0x0;
	s13 =	simm.s32 $0x2800  }
0x4: {  	s14 =	simm.s32 $0x6800;
	s15 =	simm.s32 $0x1;
	s4 =	smul.u32 $0x5000, s0  }
0x5: {  	s16 =	simm.s32 $0x1400;
	s17 =	simm.s32 $0x2;
	s26 =	smul.u32 $0x13C00, s0  }
0x6: {  	s18 =	simm.s32 $0x2780;
	s5 =	sand.u32 $0x1, s1;
	s10 =	smul.u32 $0x4F000, s0  }
0x7: {  	s19 =	simm.s32 $0x0;
	s1 =	rddreg [dreg:$0x2];
	s7 =	smul.u32 $0x2800, s5  }
0x8: {  	[smem:$0x7FF] =	sst s3;
	s31 =	sshll.u32 s0, $0x6;
	s8 =	smul.u32 $0x13C000, s5  }
0x9: {  	_ =	strace $0x8000004D;
	s28 =	ssub.s32 $0x2, s5;
	s5 =	sadd.s32 $0x3A00, s6  }
0xa: {  	s29 =	sshrl.u32 s28, $0x1;
	s30 =	sshrl.u32 s10, $0x2;
	s4 =	sadd.s32 s7, s4  }
0xb: {  	s7 =	sadd.s32 s26, s8;
	s12 =	ssub.s32 s28, s29;
	s10 =	sadd.s32 s30, s2  }
0xc: {  	s9 =	sshrl.u32 s4, $0x3;
	s4 =	sadd.s32 $0x1C800, s6;
	s7 =	sshrl.u32 s7, $0x3  }
0xd: {  	s10 =	sshrl.u32 s10, $0x3;
	s9 =	sadd.s32 s9, s6;
	s11 =	sadd.s32 s7, s6  }
0xe: {  	s6 =	sor.u32 $0x1C03, s31;
	s7 =	sadd.s32 $0x12800, s9;
	s8 =	sadd.s32 $0x91C00, s11  }
0xf: {  	s9 =	smax.u32 s12, $0x1;
	s11 =	simm.s32 $0x3;
	s12 =	simm.s32 $0x80  }
.LBB2_1:
0x10: {  	[spmem:s10], [sflag:s6] =	dma.local [hbm:s5], $0x2780  }
0x11: {  	_ =	swait.ge [sflag:s11], $0x2780  }
0x12: {  	[sflag:s11] =	ssyncset.done $0x0  }
0x13: {  	[sflag:s11] =	ssyncadd.s32 $0xFFFFD880  }
0x14: {  	[bflag:$0x0] =	sbarrier.arrive $0xFFFF  }
0x15: {  	[tilespmem:s3], [sflag:$0x3] =	stream.linear.gather [hbm4b:s7+s3], $0x2800, $0x38;
	[tilespmem:$0x1E400] =	vst v63  }
0x16: {  	_ =	swait.ge [sflag:s11], $0x2800  }
0x17: {  	[sflag:s11] =	ssyncset.done $0x0  }
0x18: {  	[sflag:s11] =	ssyncadd.s32 $0xFFFFD800  }
0x19: {  	[tilespmem:s13], [sflag:$0x1] =	stream.indirect.gather [hbm4b:s4+s12], $0x80, s3, s12, $0xb8;
	[tilespmem:$0x1E400] =	vst v63  }
0x1a: {  	_ = 	snop  }
0x1b: {  	[tilespmem:s14], [sflag:$0x2] =	stream.indirect.gather [hbm4b:s4+s12], $0x80, s12, s12, $0xb8;
	[tilespmem:$0x1E400] =	vst v63  }
0x1c: {  	_ =	swait.ge [sflag:s15], $0x4000  }
0x1d: {  	[sflag:s15] =	ssyncset.done $0x0  }
0x1e: {  	[sflag:s15] =	ssyncadd.s32 $0xFFFFC000  }
0x1f: {  	[spmem:s2] =	stream.indirect.scatter.add.f32 [tilespmem:s13], [sflag:$0x3], $0x80, s16, s12, $0xb8;
	[tilespmem:$0x1E400] =	vst v63  }
0x20: {  	_ =	swait.ge [sflag:s11], $0x4000  }
0x21: {  	[sflag:s11] =	ssyncset.done $0x0  }
0x22: {  	s20 =	simm.s32 $0x100;
	[sflag:s11] =	ssyncadd.s32 $0xFFFFC000  }
0x23: {  	[tilespmem:s13], [sflag:$0x1] =	stream.indirect.gather [hbm4b:s4+s12], $0x80, s20, s12, $0xb8;
	[tilespmem:$0x1E400] =	vst v63  }
0x24: {  	_ =	swait.ge [sflag:s17], $0x4000  }
0x25: {  	[sflag:s17] =	ssyncset.done $0x0  }
0x26: {  	s29 =	simm.s32 $0x1480;
	[sflag:s17] =	ssyncadd.s32 $0xFFFFC000  }
0x27: {  	[spmem:s2] =	stream.indirect.scatter.add.f32 [tilespmem:s14], [sflag:$0x3], $0x80, s29, s12, $0xb8;
	[tilespmem:$0x1E400] =	vst v63  }
0x28: {  	_ =	swait.ge [sflag:s11], $0x4000  }
0x29: {  	[sflag:s11] =	ssyncset.done $0x0  }
0x2a: {  	s30 =	simm.s32 $0x180;
	[sflag:s11] =	ssyncadd.s32 $0xFFFFC000  }
0x2b: {  	[tilespmem:s14], [sflag:$0x2] =	stream.indirect.gather [hbm4b:s4+s12], $0x80, s30, s12, $0xb8;
	[tilespmem:$0x1E400] =	vst v63  }
0x2c: {  	_ =	swait.ge [sflag:s15], $0x4000  }
0x2d: {  	[sflag:s15] =	ssyncset.done $0x0  }
0x2e: {  	s31 =	simm.s32 $0x1500;
	[sflag:s15] =	ssyncadd.s32 $0xFFFFC000  }
0x2f: {  	[spmem:s2] =	stream.indirect.scatter.add.f32 [tilespmem:s13], [sflag:$0x3], $0x80, s31, s12, $0xb8;
	[tilespmem:$0x1E400] =	vst v63  }
0x30: {  	_ =	swait.ge [sflag:s11], $0x4000  }
0x31: {  	s21 =	simm.s32 $0xC00;
	s20 =	simm.s32 $0x800;
	[sflag:s11] =	ssyncset.done $0x0  }
.LBB2_2:
0x32: {  	s22 =	sshra.s32 s20, $0x2  }
0x33: {  	[sflag:s11] =	ssyncadd.s32 $0xFFFFC000;
	s20 =	smov.u32 s21;
	s23 =	sadd.s32 $0x400, s21  }
0x34: {  	[tilespmem:s13], [sflag:$0x1] =	stream.indirect.gather [hbm4b:s4+s12], $0x80, s22, s12, $0xb8;
	[tilespmem:$0x1E400] =	vst v63  }
0x35: {  	p0 =	sne.s32 s21, $0x4C00;
	_ =	swait.ge [sflag:s17], $0x4000  }
0x36: {  	[sflag:s17] =	ssyncset.done $0x0  }
0x37: {  	s21 =	sadd.s32 $0x1380, s22;
	[sflag:s17] =	ssyncadd.s32 $0xFFFFC000  }
0x38: {  	[spmem:s2] =	stream.indirect.scatter.add.f32 [tilespmem:s14], [sflag:$0x3], $0x80, s21, s12, $0xb8;
	[tilespmem:$0x1E400] =	vst v63  }
0x39: {  	_ =	swait.ge [sflag:s11], $0x4000  }
0x3a: {  	[sflag:s11] =	ssyncset.done $0x0  }
0x3b: {  	s21 =	sadd.s32 $0x80, s22;
	[sflag:s11] =	ssyncadd.s32 $0xFFFFC000  }
0x3c: {  	[tilespmem:s14], [sflag:$0x2] =	stream.indirect.gather [hbm4b:s4+s12], $0x80, s21, s12, $0xb8;
	[tilespmem:$0x1E400] =	vst v63  }
0x3d: {  	_ =	swait.ge [sflag:s15], $0x4000  }
.Ltmp0:
0x3e: {  	[sflag:s15] =	ssyncset.done $0x0;
	(pc) =	sbr.rel @p0 .LBB2_2-.Ltmp0, $4  }
0x3f: {  	s21 =	sadd.s32 $0x1400, s22;
	[sflag:s15] =	ssyncadd.s32 $0xFFFFC000  }
0x40: {  	[spmem:s2] =	stream.indirect.scatter.add.f32 [tilespmem:s13], [sflag:$0x3], $0x80, s21, s12, $0xb8;
	[tilespmem:$0x1E400] =	vst v63  }
0x41: {  	_ =	swait.ge [sflag:s11], $0x4000  }
0x42: {  	s21 =	smov.u32 s23;
	[sflag:s11] =	ssyncset.done $0x0  }
0x43: {  	s20 =	sshra.s32 s20, $0x2;
	[sflag:s11] =	ssyncadd.s32 $0xFFFFC000  }
0x44: {  	[tilespmem:s13], [sflag:$0x1] =	stream.indirect.gather [hbm4b:s4+s12], $0x80, s20, s12, $0xb8;
	[tilespmem:$0x1E400] =	vst v63  }
0x45: {  	_ =	swait.ge [sflag:s17], $0x4000  }
0x46: {  	[sflag:s17] =	ssyncset.done $0x0  }
0x47: {  	s21 =	sadd.s32 $0x1380, s20;
	[sflag:s17] =	ssyncadd.s32 $0xFFFFC000  }
0x48: {  	[spmem:s2] =	stream.indirect.scatter.add.f32 [tilespmem:s14], [sflag:$0x3], $0x80, s21, s12, $0xb8;
	[tilespmem:$0x1E400] =	vst v63  }
0x49: {  	_ =	swait.ge [sflag:s11], $0x4000  }
0x4a: {  	[sflag:s11] =	ssyncset.done $0x0  }
0x4b: {  	s31 =	sadd.s32 $0x80, s20;
	[sflag:s11] =	ssyncadd.s32 $0xFFFFC000  }
0x4c: {  	[tilespmem:s14], [sflag:$0x2] =	stream.indirect.gather [hbm4b:s4+s12], $0x80, s31, s12, $0xb8;
	[tilespmem:$0x1E400] =	vst v63  }
0x4d: {  	_ =	swait.ge [sflag:s15], $0x4000  }
0x4e: {  	[sflag:s15] =	ssyncset.done $0x0  }
0x4f: {  	s20 =	sadd.s32 $0x1400, s20;
	[sflag:s15] =	ssyncadd.s32 $0xFFFFC000  }
0x50: {  	[spmem:s2] =	stream.indirect.scatter.add.f32 [tilespmem:s13], [sflag:$0x3], $0x80, s20, s12, $0xb8;
	[tilespmem:$0x1E400] =	vst v63  }
0x51: {  	_ =	swait.ge [sflag:s11], $0x4000  }
0x52: {  	[sflag:s11] =	ssyncset.done $0x0  }
0x53: {  	[sflag:s11] =	ssyncadd.s32 $0xFFFFC000  }
0x54: {  	_ =	swait.ge [sflag:s17], $0x4000  }
0x55: {  	[sflag:s17] =	ssyncset.done $0x0  }
0x56: {  	[sflag:s17] =	ssyncadd.s32 $0xFFFFC000  }
0x57: {  	[spmem:s2] =	stream.indirect.scatter.add.f32 [tilespmem:s14], [sflag:$0x3], $0x80, s18, s12, $0xb8;
	[tilespmem:$0x1E400] =	vst v63  }
0x58: {  	_ =	swait.ge [sflag:s11], $0x4000  }
0x59: {  	s19 =	sadd.s32 $0x1, s19;
	[sflag:s11] =	ssyncset.done $0x0  }
0x5a: {  	p0 =	sne.s32 s19, s9;
	[sflag:s11] =	ssyncadd.s32 $0xFFFFC000  }
.Ltmp1:
0x5b: {  	[bflag:$0x0] =	sbarrier.arrive $0xFFFF;
	(pc) =	sbr.rel @p0 .LBB2_1-.Ltmp1, $4  }
0x5c: {  	[hbm:s8], [sflag:s6] =	dma.local [spmem:s10], $0x2780  }
0x5d: {  	_ =	swait.ge [sflag:s11], $0x2780  }
0x5e: {  	[sflag:s11] =	ssyncset.done $0x0  }
0x5f: {  	[sflag:s11] =	ssyncadd.s32 $0xFFFFD880  }
0x60: {  	_ =	sfence.sel $0x180000  }
0x61: {  	[bflag:$0x0] =	sbarrier.arrive $0xFFFF  }
0x62: {  	p0 =	sne.s32 s0, $0x0;
	_ =	strace $0x9000004D  }
0x63: {  	s0 =	sadd.s32 @!p0 $0x100000, s1;
	[bflag:$0x2] =	sbarrier.arrive $0xFFFF  }
0x64: {  	[sflag:s0] =	ssyncadd.tile.s32 @!p0 $0x1;
	_ =	shalt  }
.Lfunc_end2:
_tile_overlayer_lowered:
.L_overlay_start_2:
0x65: {  	(tag) =	ssettag $0x2  }
0x66: {  	s0 =	rddreg [dreg:$0x0];
	s2 =	stileid.u32  }
0x67: {  	s1 =	rddreg [dreg:$0x1];
	p0 =	sne.s32 s2, $0x0  }
0x68: {  	s3 =	rddreg [dreg:$0x2];
	[bflag:$0x3] =	sbarrier.arrive $0xFFFF;
	s2 =	simm.s32 @!p0 $0x1C03  }
0x69: {  	[timem:s3], [sflag:s2] =	dma.local @!p0 [hbm:s0], s1  }
0x6a: {  	s0 =	simm.s32 @!p0 $0x3  }
0x6b: {  	_ =	swait.ge @!p0 [sflag:s0], s1  }
0x6c: {  	s1 =	ssub.s32 @!p0 $0x0, s1;
	[sflag:s0] =	ssyncset.done @!p0 $0x0  }
0x6d: {  	[sflag:s0] =	ssyncadd.s32 @!p0 s1  }
0x6e: {  	[bflag:$0x3] =	sbarrier.arrive $0xFFFF  }
0x6f: {  	_ =	shalt  }

</sc_bundles>
